<compile_context>
chip_gen: v7x
topology: tpu7x:2x2x1
jax: 0.10.2.dev20260603
libtpu: 0.0.44.dev20260713+nightly
codegen_flags: <defaults>
</compile_context>

<pallas_src>
import functools

import jax
import jax.numpy as jnp
from jax import lax
from jax.experimental import pallas as pl
from jax.experimental.pallas import tpu as pltpu
from jax.experimental.pallas import tpu_sc as plsc

_NC = 2
_NS = 16
_NW = _NC * _NS
_L = 16
_CH = 128
_D = 128


def _mesh():
    return plsc.VectorSubcoreMesh(
        core_axis_name="c", subcore_axis_name="s", num_cores=_NC, num_subcores=_NS
    )


def _dyn_splat(vec16, lane):
    idx = jnp.full((_L, 1), lane, jnp.int32)
    dn = lax.GatherDimensionNumbers(
        offset_dims=(), collapsed_slice_dims=(0,), start_index_map=(0,)
    )
    return lax.gather(
        vec16, idx, dn, (1,), mode=lax.GatherScatterMode.PROMISE_IN_BOUNDS
    )



def _make_deg_kernel(tch, npad):
    strip = npad // _NS

    @functools.partial(
        pl.kernel,
        out_type=jax.ShapeDtypeStruct((_NC, npad), jnp.float32),
        mesh=_mesh(),
        scratch_types=[
            pltpu.VMEM((tch, _CH), jnp.int32),
            pltpu.VMEM((tch, _CH), jnp.float32),
            pltpu.VMEM((strip,), jnp.float32),
            pltpu.VMEM_SHARED((npad,), jnp.float32),
        ],
    )
    def deg_kernel(dst_hbm, w_hbm, out_hbm, dstv, wv, buf, deg_sh):
        cid = lax.axis_index("c")
        sid = lax.axis_index("s")
        wid = sid * _NC + cid
        z = jnp.zeros((_L,), jnp.float32)

        def zv(r, _):
            buf[pl.ds(r * _L, _L)] = z
            return 0

        lax.fori_loop(0, strip // _L, zv, 0)
        pltpu.sync_copy(buf, deg_sh.at[pl.ds(sid * strip, strip)])
        pltpu.sync_copy(dst_hbm.at[wid], dstv)
        pltpu.sync_copy(w_hbm.at[wid], wv)
        plsc.subcore_barrier()

        def chunk(j, _):
            pltpu.sync_copy(wv.at[j], deg_sh.at[dstv.at[j]], add=True)
            return 0

        lax.fori_loop(0, tch, chunk, 0)
        plsc.subcore_barrier()
        pltpu.sync_copy(deg_sh.at[pl.ds(sid * strip, strip)], buf)
        pltpu.sync_copy(buf, out_hbm.at[cid, pl.ds(sid * strip, strip)])

    return deg_kernel



def _make_acc_kernel(tch, npad, nrows):
    strip = npad // _NS

    @functools.partial(
        pl.kernel,
        out_type=jax.ShapeDtypeStruct((_NC, npad, _D), jnp.float32),
        mesh=_mesh(),
        scratch_types=[
            pltpu.VMEM((tch, _CH), jnp.int32),
            pltpu.VMEM((tch, _CH), jnp.int32),
            pltpu.VMEM((tch, _CH), jnp.float32),
            pltpu.VMEM((_CH, _D), jnp.float32),
            pltpu.VMEM_SHARED((npad, _D), jnp.float32),
            pltpu.SemaphoreType.DMA,
        ],
    )
    def acc_kernel(y_hbm, src_hbm, dst_hbm, w_hbm, out_hbm,
                   srcv, dstv, wv, rows, acc_sh, sem):
        cid = lax.axis_index("c")
        sid = lax.axis_index("s")
        wid = sid * _NC + cid
        z = jnp.zeros((_L,), jnp.float32)

        def zrow(r, _):
            for q in range(_D // _L):
                rows[r, pl.ds(q * _L, _L)] = z
            return 0

        lax.fori_loop(0, _CH, zrow, 0)
        for b in range(strip // _CH):
            pltpu.sync_copy(rows, acc_sh.at[pl.ds(sid * strip + b * _CH, _CH)])

        pltpu.sync_copy(src_hbm.at[wid], srcv)
        pltpu.sync_copy(dst_hbm.at[wid], dstv)
        pltpu.sync_copy(w_hbm.at[wid], wv)
        plsc.subcore_barrier()

        def chunk(j, _):
            pltpu.async_copy(y_hbm.at[srcv.at[j]], rows, sem).wait()

            def erow(e, _):
                g = lax.shift_right_logical(e, 4)
                w16 = wv[j, pl.ds(g * _L, _L)]
                sp = _dyn_splat(w16, e & (_L - 1))
                for q in range(_D // _L):
                    rows[e, pl.ds(q * _L, _L)] = rows[e, pl.ds(q * _L, _L)] * sp
                return 0

            lax.fori_loop(0, _CH, erow, 0)
            pltpu.sync_copy(rows, acc_sh.at[dstv.at[j]], add=True)
            return 0

        lax.fori_loop(0, tch, chunk, 0)
        plsc.subcore_barrier()
        pltpu.sync_copy(acc_sh.at[pl.ds(sid * strip, strip)],
                        out_hbm.at[cid, pl.ds(sid * strip, strip)])

    return acc_kernel



_BR = 1000


def _tc_stage1(x, W1, degp):
    n = x.shape[0]

    def body(xr, wr, dr, yr, disr):
        deg = dr[0] + dr[1] + 1.0
        dis = lax.rsqrt(deg)
        xw = jnp.dot(xr[...], wr[...], preferred_element_type=jnp.float32)
        yr[...] = xw * dis
        disr[...] = dis

    return pl.pallas_call(
        body,
        grid=(n // _BR,),
        in_specs=[
            pl.BlockSpec((_BR, _D), lambda i: (i, 0)),
            pl.BlockSpec((_D, _D), lambda i: (0, 0)),
            pl.BlockSpec((_NC, _BR, 1), lambda i: (0, i, 0)),
        ],
        out_specs=[
            pl.BlockSpec((_BR, _D), lambda i: (i, 0)),
            pl.BlockSpec((_BR, 1), lambda i: (i, 0)),
        ],
        out_shape=[
            jax.ShapeDtypeStruct((n, _D), jnp.float32),
            jax.ShapeDtypeStruct((n, 1), jnp.float32),
        ],
    )(x, W1, degp)


def _tc_stage2(acc, y1, dis, b1, W2):
    n = y1.shape[0]

    def body(ar, yr, dr, br, wr, outr):
        h = jax.nn.relu(dr[...] * (ar[0] + ar[1] + yr[...]) + br[...])
        hw = jnp.dot(h, wr[...], preferred_element_type=jnp.float32)
        outr[...] = hw * dr[...]

    return pl.pallas_call(
        body,
        grid=(n // _BR,),
        in_specs=[
            pl.BlockSpec((_NC, _BR, _D), lambda i: (0, i, 0)),
            pl.BlockSpec((_BR, _D), lambda i: (i, 0)),
            pl.BlockSpec((_BR, 1), lambda i: (i, 0)),
            pl.BlockSpec((1, _D), lambda i: (0, 0)),
            pl.BlockSpec((_D, _D), lambda i: (0, 0)),
        ],
        out_specs=pl.BlockSpec((_BR, _D), lambda i: (i, 0)),
        out_shape=jax.ShapeDtypeStruct((n, _D), jnp.float32),
    )(acc, y1, dis, b1.reshape(1, _D), W2)


def _tc_stage3(acc, y2, dis, b2, Wmu, bmu, Wlv, blv):
    n = y2.shape[0]
    lout = Wmu.shape[1]
    nblk = n // _BR

    def body(ar, yr, dr, br, wmr, bmr, wlr, blr, mur, lvr, scr):
        i = pl.program_id(0)

        @pl.when(i == 0)
        def _():
            scr[...] = jnp.zeros_like(scr)

        out2 = dr[...] * (ar[0] + ar[1] + yr[...])
        scr[...] += jnp.sum(out2, axis=0, keepdims=True)

        @pl.when(i == nblk - 1)
        def _():
            g = scr[...] * (1.0 / n) + br[...]
            mur[...] = jnp.dot(g, wmr[...], preferred_element_type=jnp.float32) + bmr[...]
            lvr[...] = jnp.dot(g, wlr[...], preferred_element_type=jnp.float32) + blr[...]

    return pl.pallas_call(
        body,
        grid=(nblk,),
        in_specs=[
            pl.BlockSpec((_NC, _BR, _D), lambda i: (0, i, 0)),
            pl.BlockSpec((_BR, _D), lambda i: (i, 0)),
            pl.BlockSpec((_BR, 1), lambda i: (i, 0)),
            pl.BlockSpec((1, _D), lambda i: (0, 0)),
            pl.BlockSpec((_D, lout), lambda i: (0, 0)),
            pl.BlockSpec((1, lout), lambda i: (0, 0)),
            pl.BlockSpec((_D, lout), lambda i: (0, 0)),
            pl.BlockSpec((1, lout), lambda i: (0, 0)),
        ],
        out_specs=[
            pl.BlockSpec((1, lout), lambda i: (0, 0)),
            pl.BlockSpec((1, lout), lambda i: (0, 0)),
        ],
        out_shape=[
            jax.ShapeDtypeStruct((1, lout), jnp.float32),
            jax.ShapeDtypeStruct((1, lout), jnp.float32),
        ],
        scratch_shapes=[pltpu.VMEM((1, _D), jnp.float32)],
    )(acc, y2, dis, b2.reshape(1, _D), Wmu, bmu.reshape(1, lout), Wlv,
      blv.reshape(1, lout))



def kernel(x, edge_index, weights, W1, b1, W2, b2, Wmu, bmu, Wlv, blv):
    n = x.shape[0]
    e = weights.shape[0]

    npad = ((n + _NS * _CH - 1) // (_NS * _CH)) * (_NS * _CH)
    tch = (e + _NW * _CH - 1) // (_NW * _CH)
    epad = _NW * tch * _CH - e

    zpad_i = jnp.zeros((epad,), jnp.int32)
    src3 = jnp.concatenate([edge_index[0], zpad_i]).reshape(_NW, tch, _CH)
    dst3 = jnp.concatenate([edge_index[1], zpad_i]).reshape(_NW, tch, _CH)
    w3 = jnp.concatenate(
        [weights, jnp.zeros((epad,), jnp.float32)]
    ).reshape(_NW, tch, _CH)

    degp = _make_deg_kernel(tch, npad)(dst3, w3)
    degp3 = degp.reshape(_NC, npad, 1)

    acc_fn = _make_acc_kernel(tch, npad, n)
    y1, dis = _tc_stage1(x, W1, degp3)
    acc1 = acc_fn(y1, src3, dst3, w3)
    y2 = _tc_stage2(acc1, y1, dis, b1, W2)
    acc2 = acc_fn(y2, src3, dst3, w3)
    mu, logvar = _tc_stage3(acc2, y2, dis, b2, Wmu, bmu, Wlv, blv)
    return (mu, logvar)

# --- scband reference (transcript-rebuilt; emitter-appended) ---
"""Pipeline reference for scband-spectral-gnnencoder-59184649339354 (READ-ONLY COPY).

The authoritative reference and input builder live on the scoring server;
editing this copy changes nothing except your own understanding.
"""

import jax, jax.numpy as jnp
import numpy as np

N = 10000
E = 320000
D = 128
H = 128
L = 64


def setup_inputs(seed: int = 0) -> dict:
    key = jax.random.key(seed)
    ks = jax.random.split(key, 12)
    x = jax.random.normal(ks[0], (N, D), dtype=jnp.float32)
    edge_index = jax.random.randint(ks[1], (2, E), 0, N, dtype=jnp.int32)
    weights = jax.random.uniform(ks[2], (E,), dtype=jnp.float32)
    # GCNConv lin weights (stored as [in, out]) + bias
    W1 = jax.random.normal(ks[3], (D, H), dtype=jnp.float32) * 0.05
    b1 = jnp.zeros((H,), dtype=jnp.float32)
    W2 = jax.random.normal(ks[4], (H, H), dtype=jnp.float32) * 0.05
    b2 = jnp.zeros((H,), dtype=jnp.float32)
    Wmu = jax.random.normal(ks[5], (H, L), dtype=jnp.float32) * 0.05
    bmu = jnp.zeros((L,), dtype=jnp.float32)
    Wlv = jax.random.normal(ks[6], (H, L), dtype=jnp.float32) * 0.05
    blv = jnp.zeros((L,), dtype=jnp.float32)
    return {"x": x, "edge_index": edge_index, "weights": weights,
            "W1": W1, "b1": b1, "W2": W2, "b2": b2,
            "Wmu": Wmu, "bmu": bmu, "Wlv": Wlv, "blv": blv}


def _gcn_conv(x, src, dst, ew, W, b, n):
    # PyG GCNConv: x' = lin(x); gcn_norm with self-loops (weight 1); scatter-add; + bias
    loop = jnp.arange(n, dtype=src.dtype)
    src2 = jnp.concatenate([src, loop])
    dst2 = jnp.concatenate([dst, loop])
    ew2 = jnp.concatenate([ew, jnp.ones((n,), dtype=ew.dtype)])
    deg = jnp.zeros((n,), dtype=ew.dtype).at[dst2].add(ew2)
    deg_safe = jnp.where(deg > 0, deg, 1.0)
    dis = jnp.where(deg > 0, 1.0 / jnp.sqrt(deg_safe), 0.0)
    norm = dis[src2] * ew2 * dis[dst2]
    xw = x @ W
    msgs = xw[src2] * norm[:, None]
    out = jnp.zeros((n, W.shape[1]), dtype=x.dtype).at[dst2].add(msgs)
    return out + b


def reference(x, edge_index, weights, W1, b1, W2, b2, Wmu, bmu, Wlv, blv):
    n = x.shape[0]
    src = edge_index[0]
    dst = edge_index[1]
    h = jax.nn.relu(_gcn_conv(x, src, dst, weights, W1, b1, n))
    h = _gcn_conv(h, src, dst, weights, W2, b2, n)
    g = h.mean(axis=0, keepdims=True)
    mu = g @ Wmu + bmu
    logvar = g @ Wlv + blv
    return (mu, logvar)

if __name__ == "__main__":
    import jax
    _d = setup_inputs()
    print(jax.jit(kernel)(*tuple(_d.values())))

</pallas_src>

<mosaic_0001>
#map = affine_map<(d0, d1) -> (0, 0, 0)>
#map1 = affine_map<(d0, d1) -> (0, 0)>
module attributes {stable_mosaic.version = 14 : i64} {
  func.func @deg_kernel(%arg0: i32, %arg1: i32, %arg2: memref<32x79x128xi32, #tpu.memory_space<hbm>>, %arg3: memref<32x79x128xf32, #tpu.memory_space<hbm>>, %arg4: memref<2x10240xf32, #tpu.memory_space<hbm>>, %arg5: memref<79x128xi32, #tpu.memory_space<vmem>>, %arg6: memref<79x128xf32, #tpu.memory_space<vmem>>, %arg7: memref<640xf32, #tpu.memory_space<vmem>>, %arg8: memref<10240xf32, #tpu.memory_space<vmem_shared>>) attributes {dimension_semantics = [#tpu.dimension_semantics<core_parallel>, #tpu.dimension_semantics<subcore_parallel>], iteration_bounds = array<i64: 2, 16>, scalar_prefetch = 0 : i64, scratch_operands = 4 : i64, tpu.core_type = #tpu.core_type<sc_vector_subcore>, window_params = [{transform_indices = #map}, {transform_indices = #map}, {transform_indices = #map1}]} {
    %mul3A = arith.constant 2 : i32
    %mul3A_0 = arith.muli %arg1, %mul3A : i32
    %add3A = arith.addi %mul3A_0, %arg0 : i32
    %broadcast_in_dim3A = arith.constant 0.000000e+00 : f32
    %broadcast_in_dim3A_1 = vector.broadcast %broadcast_in_dim3A : f32 to vector<16xf32>
    %scan3A = arith.constant 0 : i32
    %scan3A_2 = arith.constant 0 : i32
    %scan3A_3 = arith.constant 40 : i32
    %scan3A_4 = arith.addi %scan3A_2, %scan3A_3 : i32
    %scan3A_5 = arith.constant 1 : i32
    %scan3A_6 = scf.for %scan3A_22 = %scan3A_2 to %scan3A_4 step %scan3A_5 iter_args(%scan3A_23 = %scan3A) -> (i32)  : i32 {
      %mul3A_24 = arith.constant 16 : i32
      %mul3A_25 = arith.muli %scan3A_22, %mul3A_24 : i32
      %swap3A = arith.index_cast %mul3A_25 : i32 to index
      %swap3A_26 = tpu.vector_load %arg7[%swap3A] {strides = array<i32>} : memref<640xf32, #tpu.memory_space<vmem>>, vector<16xf32>,
      %swap3A_27 = vector.shape_cast %swap3A_26 : vector<16xf32> to vector<16xf32>
      %swap3A_28 = vector.shape_cast %broadcast_in_dim3A_1 : vector<16xf32> to vector<16xf32>
      tpu.vector_store %arg7[%swap3A], %swap3A_28 {strides = array<i32>} : memref<640xf32, #tpu.memory_space<vmem>>, vector<16xf32>,
      %scan3A_29 = arith.constant 0 : i32
      scf.yield %scan3A_29 : i32
    }
    %scan3A_7 = arith.constant 40 : i32
    %mul3A_8 = arith.constant 640 : i32
    %mul3A_9 = arith.muli %arg1, %mul3A_8 : i32
    "tpu.region"() ({
      %run_scoped3A = tpu.sem_alloc : memref<!tpu.dma_semaphore, #tpu.memory_space<semaphore_mem>>
      %dma_start3A = tpu.memref_slice %arg8[%mul3A_9] : memref<10240xf32, #tpu.memory_space<vmem_shared>> -> memref<640xf32, #tpu.memory_space<vmem_shared>>
      %dma_start3A_22 = tpu.memref_slice %arg8[%mul3A_9] : memref<10240xf32, #tpu.memory_space<vmem_shared>> -> memref<640xf32, #tpu.memory_space<vmem_shared>>
      tpu.enqueue_dma source(%arg7 : memref<640xf32, #tpu.memory_space<vmem>>) target(%dma_start3A_22 : memref<640xf32, #tpu.memory_space<vmem_shared>>) target_semaphore(%run_scoped3A : memref<!tpu.dma_semaphore, #tpu.memory_space<semaphore_mem>>)
      %dma_wait3A = tpu.memref_slice %arg8[%mul3A_9] : memref<10240xf32, #tpu.memory_space<vmem_shared>> -> memref<640xf32, #tpu.memory_space<vmem_shared>>
      %dma_wait3A_23 = tpu.memref_slice %arg8[%mul3A_9] : memref<10240xf32, #tpu.memory_space<vmem_shared>> -> memref<640xf32, #tpu.memory_space<vmem_shared>>
      tpu.wait_dma2 semaphore(%run_scoped3A : memref<!tpu.dma_semaphore, #tpu.memory_space<semaphore_mem>>) src(%arg7 : memref<640xf32, #tpu.memory_space<vmem>>) dst(%dma_wait3A_23 : memref<640xf32, #tpu.memory_space<vmem_shared>>)
      tpu.yield
    }) : () -> ()
    "tpu.region"() ({
      %run_scoped3A = tpu.sem_alloc : memref<!tpu.dma_semaphore, #tpu.memory_space<semaphore_mem>>
      %dma_start3A = arith.constant 0 : i32
      %dma_start3A_22 = arith.constant 0 : i32
      %dma_start3A_23 = tpu.memref_slice %arg2[%add3A, %dma_start3A, %dma_start3A_22] : memref<32x79x128xi32, #tpu.memory_space<hbm>> -> memref<1x79x128xi32, #tpu.memory_space<hbm>>
      %dma_start3A_24 = tpu.memref_squeeze %dma_start3A_23 : memref<1x79x128xi32, #tpu.memory_space<hbm>> -> memref<79x128xi32, #tpu.memory_space<hbm>>
      %dma_start3A_25 = arith.constant 0 : i32
      %dma_start3A_26 = arith.constant 0 : i32
      %dma_start3A_27 = tpu.memref_slice %arg2[%add3A, %dma_start3A_25, %dma_start3A_26] : memref<32x79x128xi32, #tpu.memory_space<hbm>> -> memref<1x79x128xi32, #tpu.memory_space<hbm>>
      %dma_start3A_28 = tpu.memref_squeeze %dma_start3A_27 : memref<1x79x128xi32, #tpu.memory_space<hbm>> -> memref<79x128xi32, #tpu.memory_space<hbm>>
      tpu.enqueue_dma source(%dma_start3A_28 : memref<79x128xi32, #tpu.memory_space<hbm>>) target(%arg5 : memref<79x128xi32, #tpu.memory_space<vmem>>) target_semaphore(%run_scoped3A : memref<!tpu.dma_semaphore, #tpu.memory_space<semaphore_mem>>)
      %dma_wait3A = arith.constant 0 : i32
      %dma_wait3A_29 = arith.constant 0 : i32
      %dma_wait3A_30 = tpu.memref_slice %arg2[%add3A, %dma_wait3A, %dma_wait3A_29] : memref<32x79x128xi32, #tpu.memory_space<hbm>> -> memref<1x79x128xi32, #tpu.memory_space<hbm>>
      %dma_wait3A_31 = tpu.memref_squeeze %dma_wait3A_30 : memref<1x79x128xi32, #tpu.memory_space<hbm>> -> memref<79x128xi32, #tpu.memory_space<hbm>>
      %dma_wait3A_32 = arith.constant 0 : i32
      %dma_wait3A_33 = arith.constant 0 : i32
      %dma_wait3A_34 = tpu.memref_slice %arg2[%add3A, %dma_wait3A_32, %dma_wait3A_33] : memref<32x79x128xi32, #tpu.memory_space<hbm>> -> memref<1x79x128xi32, #tpu.memory_space<hbm>>
      %dma_wait3A_35 = tpu.memref_squeeze %dma_wait3A_34 : memref<1x79x128xi32, #tpu.memory_space<hbm>> -> memref<79x128xi32, #tpu.memory_space<hbm>>
      tpu.wait_dma2 semaphore(%run_scoped3A : memref<!tpu.dma_semaphore, #tpu.memory_space<semaphore_mem>>) src(%dma_wait3A_35 : memref<79x128xi32, #tpu.memory_space<hbm>>) dst(%arg5 : memref<79x128xi32, #tpu.memory_space<vmem>>)
      tpu.yield
    }) : () -> ()
    "tpu.region"() ({
      %run_scoped3A = tpu.sem_alloc : memref<!tpu.dma_semaphore, #tpu.memory_space<semaphore_mem>>
      %dma_start3A = arith.constant 0 : i32
      %dma_start3A_22 = arith.constant 0 : i32
      %dma_start3A_23 = tpu.memref_slice %arg3[%add3A, %dma_start3A, %dma_start3A_22] : memref<32x79x128xf32, #tpu.memory_space<hbm>> -> memref<1x79x128xf32, #tpu.memory_space<hbm>>
      %dma_start3A_24 = tpu.memref_squeeze %dma_start3A_23 : memref<1x79x128xf32, #tpu.memory_space<hbm>> -> memref<79x128xf32, #tpu.memory_space<hbm>>
      %dma_start3A_25 = arith.constant 0 : i32
      %dma_start3A_26 = arith.constant 0 : i32
      %dma_start3A_27 = tpu.memref_slice %arg3[%add3A, %dma_start3A_25, %dma_start3A_26] : memref<32x79x128xf32, #tpu.memory_space<hbm>> -> memref<1x79x128xf32, #tpu.memory_space<hbm>>
      %dma_start3A_28 = tpu.memref_squeeze %dma_start3A_27 : memref<1x79x128xf32, #tpu.memory_space<hbm>> -> memref<79x128xf32, #tpu.memory_space<hbm>>
      tpu.enqueue_dma source(%dma_start3A_28 : memref<79x128xf32, #tpu.memory_space<hbm>>) target(%arg6 : memref<79x128xf32, #tpu.memory_space<vmem>>) target_semaphore(%run_scoped3A : memref<!tpu.dma_semaphore, #tpu.memory_space<semaphore_mem>>)
      %dma_wait3A = arith.constant 0 : i32
      %dma_wait3A_29 = arith.constant 0 : i32
      %dma_wait3A_30 = tpu.memref_slice %arg3[%add3A, %dma_wait3A, %dma_wait3A_29] : memref<32x79x128xf32, #tpu.memory_space<hbm>> -> memref<1x79x128xf32, #tpu.memory_space<hbm>>
      %dma_wait3A_31 = tpu.memref_squeeze %dma_wait3A_30 : memref<1x79x128xf32, #tpu.memory_space<hbm>> -> memref<79x128xf32, #tpu.memory_space<hbm>>
      %dma_wait3A_32 = arith.constant 0 : i32
      %dma_wait3A_33 = arith.constant 0 : i32
      %dma_wait3A_34 = tpu.memref_slice %arg3[%add3A, %dma_wait3A_32, %dma_wait3A_33] : memref<32x79x128xf32, #tpu.memory_space<hbm>> -> memref<1x79x128xf32, #tpu.memory_space<hbm>>
      %dma_wait3A_35 = tpu.memref_squeeze %dma_wait3A_34 : memref<1x79x128xf32, #tpu.memory_space<hbm>> -> memref<79x128xf32, #tpu.memory_space<hbm>>
      tpu.wait_dma2 semaphore(%run_scoped3A : memref<!tpu.dma_semaphore, #tpu.memory_space<semaphore_mem>>) src(%dma_wait3A_35 : memref<79x128xf32, #tpu.memory_space<hbm>>) dst(%arg6 : memref<79x128xf32, #tpu.memory_space<vmem>>)
      tpu.yield
    }) : () -> ()
    %barrier3A = arith.constant 0 : index
    tpu.barrier barrier_id(%barrier3A)
    %scan3A_10 = arith.constant 0 : i32
    %scan3A_11 = arith.constant 0 : i32
    %scan3A_12 = arith.constant 79 : i32
    %scan3A_13 = arith.addi %scan3A_11, %scan3A_12 : i32
    %scan3A_14 = arith.constant 1 : i32
    %scan3A_15 = scf.for %scan3A_22 = %scan3A_11 to %scan3A_13 step %scan3A_14 iter_args(%scan3A_23 = %scan3A_10) -> (i32)  : i32 {
      "tpu.region"() ({
        %run_scoped3A = tpu.sem_alloc : memref<!tpu.dma_semaphore, #tpu.memory_space<semaphore_mem>>
        %dma_start3A = arith.constant 0 : i32
        %dma_start3A_25 = tpu.memref_slice %arg6[%scan3A_22, %dma_start3A] : memref<79x128xf32, #tpu.memory_space<vmem>> -> memref<1x128xf32, #tpu.memory_space<vmem>>
        %dma_start3A_26 = tpu.memref_squeeze %dma_start3A_25 : memref<1x128xf32, #tpu.memory_space<vmem>> -> memref<128xf32, #tpu.memory_space<vmem>>
        %dma_start3A_27 = arith.constant 0 : i32
        %dma_start3A_28 = tpu.memref_slice %arg5[%scan3A_22, %dma_start3A_27] : memref<79x128xi32, #tpu.memory_space<vmem>> -> memref<1x128xi32, #tpu.memory_space<vmem>>
        %dma_start3A_29 = tpu.memref_squeeze %dma_start3A_28 : memref<1x128xi32, #tpu.memory_space<vmem>> -> memref<128xi32, #tpu.memory_space<vmem>>
        %dma_start3A_30 = arith.constant 0 : i32
        %dma_start3A_31 = tpu.memref_slice %arg8[%dma_start3A_30] : memref<10240xf32, #tpu.memory_space<vmem_shared>> -> memref<10240xf32, #tpu.memory_space<vmem_shared>>
        tpu.enqueue_indirect_dma source(%dma_start3A_26 : memref<128xf32, #tpu.memory_space<vmem>>) target(%dma_start3A_31 : memref<10240xf32, #tpu.memory_space<vmem_shared>>) offsets(%dma_start3A_29 : memref<128xi32, #tpu.memory_space<vmem>>) semaphore(%run_scoped3A : memref<!tpu.dma_semaphore, #tpu.memory_space<semaphore_mem>>) {add = true}
        %dma_wait3A = arith.constant 0 : i32
        %dma_wait3A_32 = tpu.memref_slice %arg6[%scan3A_22, %dma_wait3A] : memref<79x128xf32, #tpu.memory_space<vmem>> -> memref<1x128xf32, #tpu.memory_space<vmem>>
        %dma_wait3A_33 = tpu.memref_squeeze %dma_wait3A_32 : memref<1x128xf32, #tpu.memory_space<vmem>> -> memref<128xf32, #tpu.memory_space<vmem>>
        %dma_wait3A_34 = arith.constant 0 : i32
        %dma_wait3A_35 = tpu.memref_slice %arg5[%scan3A_22, %dma_wait3A_34] : memref<79x128xi32, #tpu.memory_space<vmem>> -> memref<1x128xi32, #tpu.memory_space<vmem>>
        %dma_wait3A_36 = tpu.memref_squeeze %dma_wait3A_35 : memref<1x128xi32, #tpu.memory_space<vmem>> -> memref<128xi32, #tpu.memory_space<vmem>>
        %dma_wait3A_37 = arith.constant 0 : i32
        %dma_wait3A_38 = tpu.memref_slice %arg8[%dma_wait3A_37] : memref<10240xf32, #tpu.memory_space<vmem_shared>> -> memref<10240xf32, #tpu.memory_space<vmem_shared>>
        tpu.wait_indirect_dma semaphore(%run_scoped3A : memref<!tpu.dma_semaphore, #tpu.memory_space<semaphore_mem>>) src(%dma_wait3A_33 : memref<128xf32, #tpu.memory_space<vmem>>) dst(%dma_wait3A_38 : memref<10240xf32, #tpu.memory_space<vmem_shared>>)
        tpu.yield
      }) : () -> ()
      %scan3A_24 = arith.constant 0 : i32
      scf.yield %scan3A_24 : i32
    }
    %scan3A_16 = arith.constant 79 : i32
    %barrier3A_17 = arith.constant 0 : index
    tpu.barrier barrier_id(%barrier3A_17)
    %mul3A_18 = arith.constant 640 : i32
    %mul3A_19 = arith.muli %arg1, %mul3A_18 : i32
    "tpu.region"() ({
      %run_scoped3A = tpu.sem_alloc : memref<!tpu.dma_semaphore, #tpu.memory_space<semaphore_mem>>
      %dma_start3A = tpu.memref_slice %arg8[%mul3A_19] : memref<10240xf32, #tpu.memory_space<vmem_shared>> -> memref<640xf32, #tpu.memory_space<vmem_shared>>
      %dma_start3A_22 = tpu.memref_slice %arg8[%mul3A_19] : memref<10240xf32, #tpu.memory_space<vmem_shared>> -> memref<640xf32, #tpu.memory_space<vmem_shared>>
      tpu.enqueue_dma source(%dma_start3A_22 : memref<640xf32, #tpu.memory_space<vmem_shared>>) target(%arg7 : memref<640xf32, #tpu.memory_space<vmem>>) target_semaphore(%run_scoped3A : memref<!tpu.dma_semaphore, #tpu.memory_space<semaphore_mem>>)
      %dma_wait3A = tpu.memref_slice %arg8[%mul3A_19] : memref<10240xf32, #tpu.memory_space<vmem_shared>> -> memref<640xf32, #tpu.memory_space<vmem_shared>>
      %dma_wait3A_23 = tpu.memref_slice %arg8[%mul3A_19] : memref<10240xf32, #tpu.memory_space<vmem_shared>> -> memref<640xf32, #tpu.memory_space<vmem_shared>>
      tpu.wait_dma2 semaphore(%run_scoped3A : memref<!tpu.dma_semaphore, #tpu.memory_space<semaphore_mem>>) src(%dma_wait3A_23 : memref<640xf32, #tpu.memory_space<vmem_shared>>) dst(%arg7 : memref<640xf32, #tpu.memory_space<vmem>>)
      tpu.yield
    }) : () -> ()
    %mul3A_20 = arith.constant 640 : i32
    %mul3A_21 = arith.muli %arg1, %mul3A_20 : i32
    "tpu.region"() ({
      %run_scoped3A = tpu.sem_alloc : memref<!tpu.dma_semaphore, #tpu.memory_space<semaphore_mem>>
      %dma_start3A = tpu.memref_slice %arg4[%arg0, %mul3A_21] : memref<2x10240xf32, #tpu.memory_space<hbm>> -> memref<1x640xf32, #tpu.memory_space<hbm>>
      %dma_start3A_22 = tpu.memref_squeeze %dma_start3A : memref<1x640xf32, #tpu.memory_space<hbm>> -> memref<640xf32, #tpu.memory_space<hbm>>
      %dma_start3A_23 = tpu.memref_slice %arg4[%arg0, %mul3A_21] : memref<2x10240xf32, #tpu.memory_space<hbm>> -> memref<1x640xf32, #tpu.memory_space<hbm>>
      %dma_start3A_24 = tpu.memref_squeeze %dma_start3A_23 : memref<1x640xf32, #tpu.memory_space<hbm>> -> memref<640xf32, #tpu.memory_space<hbm>>
      tpu.enqueue_dma source(%arg7 : memref<640xf32, #tpu.memory_space<vmem>>) target(%dma_start3A_24 : memref<640xf32, #tpu.memory_space<hbm>>) target_semaphore(%run_scoped3A : memref<!tpu.dma_semaphore, #tpu.memory_space<semaphore_mem>>)
      %dma_wait3A = tpu.memref_slice %arg4[%arg0, %mul3A_21] : memref<2x10240xf32, #tpu.memory_space<hbm>> -> memref<1x640xf32, #tpu.memory_space<hbm>>
      %dma_wait3A_25 = tpu.memref_squeeze %dma_wait3A : memref<1x640xf32, #tpu.memory_space<hbm>> -> memref<640xf32, #tpu.memory_space<hbm>>
      %dma_wait3A_26 = tpu.memref_slice %arg4[%arg0, %mul3A_21] : memref<2x10240xf32, #tpu.memory_space<hbm>> -> memref<1x640xf32, #tpu.memory_space<hbm>>
      %dma_wait3A_27 = tpu.memref_squeeze %dma_wait3A_26 : memref<1x640xf32, #tpu.memory_space<hbm>> -> memref<640xf32, #tpu.memory_space<hbm>>
      tpu.wait_dma2 semaphore(%run_scoped3A : memref<!tpu.dma_semaphore, #tpu.memory_space<semaphore_mem>>) src(%arg7 : memref<640xf32, #tpu.memory_space<vmem>>) dst(%dma_wait3A_27 : memref<640xf32, #tpu.memory_space<hbm>>)
      tpu.yield
    }) : () -> ()
    return
  }
}

#map = affine_map<(d0, d1) -> (0, 0)>
#map1 = affine_map<(d0, d1) -> (0, 0, 0)>
module attributes {stable_mosaic.version = 14 : i64} {
  func.func @acc_kernel(%arg0: i32, %arg1: i32, %arg2: memref<10000x128xf32, #tpu.memory_space<hbm>>, %arg3: memref<32x79x128xi32, #tpu.memory_space<hbm>>, %arg4: memref<32x79x128xi32, #tpu.memory_space<hbm>>, %arg5: memref<32x79x128xf32, #tpu.memory_space<hbm>>, %arg6: memref<2x10240x128xf32, #tpu.memory_space<hbm>>, %arg7: memref<79x128xi32, #tpu.memory_space<vmem>>, %arg8: memref<79x128xi32, #tpu.memory_space<vmem>>, %arg9: memref<79x128xf32, #tpu.memory_space<vmem>>, %arg10: memref<128x128xf32, #tpu.memory_space<vmem>>, %arg11: memref<10240x128xf32, #tpu.memory_space<vmem_shared>>, %arg12: memref<!tpu.dma_semaphore, #tpu.memory_space<semaphore_mem>>) attributes {dimension_semantics = [#tpu.dimension_semantics<core_parallel>, #tpu.dimension_semantics<subcore_parallel>], iteration_bounds = array<i64: 2, 16>, scalar_prefetch = 0 : i64, scratch_operands = 6 : i64, tpu.core_type = #tpu.core_type<sc_vector_subcore>, window_params = [{transform_indices = #map}, {transform_indices = #map1}, {transform_indices = #map1}, {transform_indices = #map1}, {transform_indices = #map1}]} {
    %mul3A = arith.constant 2 : i32
    %mul3A_0 = arith.muli %arg1, %mul3A : i32
    %add3A = arith.addi %mul3A_0, %arg0 : i32
    %broadcast_in_dim3A = arith.constant 0.000000e+00 : f32
    %broadcast_in_dim3A_1 = vector.broadcast %broadcast_in_dim3A : f32 to vector<16xf32>
    %scan3A = arith.constant 0 : i32
    %scan3A_2 = arith.constant 0 : i32
    %scan3A_3 = arith.constant 128 : i32
    %scan3A_4 = arith.addi %scan3A_2, %scan3A_3 : i32
    %scan3A_5 = arith.constant 1 : i32
    %scan3A_6 = scf.for %scan3A_40 = %scan3A_2 to %scan3A_4 step %scan3A_5 iter_args(%scan3A_41 = %scan3A) -> (i32)  : i32 {
      %swap3A = arith.index_cast %scan3A_40 : i32 to index
      %swap3A_42 = arith.constant 0 : index
      %swap3A_43 = tpu.vector_load %arg10[%swap3A, %swap3A_42] {strides = array<i32>} : memref<128x128xf32, #tpu.memory_space<vmem>>, vector<1x16xf32>,
      %swap3A_44 = vector.shape_cast %swap3A_43 : vector<1x16xf32> to vector<16xf32>
      %swap3A_45 = vector.shape_cast %broadcast_in_dim3A_1 : vector<16xf32> to vector<1x16xf32>
      tpu.vector_store %arg10[%swap3A, %swap3A_42], %swap3A_45 {strides = array<i32>} : memref<128x128xf32, #tpu.memory_space<vmem>>, vector<1x16xf32>,
      %swap3A_46 = arith.index_cast %scan3A_40 : i32 to index
      %swap3A_47 = arith.constant 16 : index
      %swap3A_48 = tpu.vector_load %arg10[%swap3A_46, %swap3A_47] {strides = array<i32>} : memref<128x128xf32, #tpu.memory_space<vmem>>, vector<1x16xf32>,
      %swap3A_49 = vector.shape_cast %swap3A_48 : vector<1x16xf32> to vector<16xf32>
      %swap3A_50 = vector.shape_cast %broadcast_in_dim3A_1 : vector<16xf32> to vector<1x16xf32>
      tpu.vector_store %arg10[%swap3A_46, %swap3A_47], %swap3A_50 {strides = array<i32>} : memref<128x128xf32, #tpu.memory_space<vmem>>, vector<1x16xf32>,
      %swap3A_51 = arith.index_cast %scan3A_40 : i32 to index
      %swap3A_52 = arith.constant 32 : index
      %swap3A_53 = tpu.vector_load %arg10[%swap3A_51, %swap3A_52] {strides = array<i32>} : memref<128x128xf32, #tpu.memory_space<vmem>>, vector<1x16xf32>,
      %swap3A_54 = vector.shape_cast %swap3A_53 : vector<1x16xf32> to vector<16xf32>
      %swap3A_55 = vector.shape_cast %broadcast_in_dim3A_1 : vector<16xf32> to vector<1x16xf32>
      tpu.vector_store %arg10[%swap3A_51, %swap3A_52], %swap3A_55 {strides = array<i32>} : memref<128x128xf32, #tpu.memory_space<vmem>>, vector<1x16xf32>,
      %swap3A_56 = arith.index_cast %scan3A_40 : i32 to index
      %swap3A_57 = arith.constant 48 : index
      %swap3A_58 = tpu.vector_load %arg10[%swap3A_56, %swap3A_57] {strides = array<i32>} : memref<128x128xf32, #tpu.memory_space<vmem>>, vector<1x16xf32>,
      %swap3A_59 = vector.shape_cast %swap3A_58 : vector<1x16xf32> to vector<16xf32>
      %swap3A_60 = vector.shape_cast %broadcast_in_dim3A_1 : vector<16xf32> to vector<1x16xf32>
      tpu.vector_store %arg10[%swap3A_56, %swap3A_57], %swap3A_60 {strides = array<i32>} : memref<128x128xf32, #tpu.memory_space<vmem>>, vector<1x16xf32>,
      %swap3A_61 = arith.index_cast %scan3A_40 : i32 to index
      %swap3A_62 = arith.constant 64 : index
      %swap3A_63 = tpu.vector_load %arg10[%swap3A_61, %swap3A_62] {strides = array<i32>} : memref<128x128xf32, #tpu.memory_space<vmem>>, vector<1x16xf32>,
      %swap3A_64 = vector.shape_cast %swap3A_63 : vector<1x16xf32> to vector<16xf32>
      %swap3A_65 = vector.shape_cast %broadcast_in_dim3A_1 : vector<16xf32> to vector<1x16xf32>
      tpu.vector_store %arg10[%swap3A_61, %swap3A_62], %swap3A_65 {strides = array<i32>} : memref<128x128xf32, #tpu.memory_space<vmem>>, vector<1x16xf32>,
      %swap3A_66 = arith.index_cast %scan3A_40 : i32 to index
      %swap3A_67 = arith.constant 80 : index
      %swap3A_68 = tpu.vector_load %arg10[%swap3A_66, %swap3A_67] {strides = array<i32>} : memref<128x128xf32, #tpu.memory_space<vmem>>, vector<1x16xf32>,
      %swap3A_69 = vector.shape_cast %swap3A_68 : vector<1x16xf32> to vector<16xf32>
      %swap3A_70 = vector.shape_cast %broadcast_in_dim3A_1 : vector<16xf32> to vector<1x16xf32>
      tpu.vector_store %arg10[%swap3A_66, %swap3A_67], %swap3A_70 {strides = array<i32>} : memref<128x128xf32, #tpu.memory_space<vmem>>, vector<1x16xf32>,
      %swap3A_71 = arith.index_cast %scan3A_40 : i32 to index
      %swap3A_72 = arith.constant 96 : index
      %swap3A_73 = tpu.vector_load %arg10[%swap3A_71, %swap3A_72] {strides = array<i32>} : memref<128x128xf32, #tpu.memory_space<vmem>>, vector<1x16xf32>,
      %swap3A_74 = vector.shape_cast %swap3A_73 : vector<1x16xf32> to vector<16xf32>
      %swap3A_75 = vector.shape_cast %broadcast_in_dim3A_1 : vector<16xf32> to vector<1x16xf32>
      tpu.vector_store %arg10[%swap3A_71, %swap3A_72], %swap3A_75 {strides = array<i32>} : memref<128x128xf32, #tpu.memory_space<vmem>>, vector<1x16xf32>,
      %swap3A_76 = arith.index_cast %scan3A_40 : i32 to index
      %swap3A_77 = arith.constant 112 : index
      %swap3A_78 = tpu.vector_load %arg10[%swap3A_76, %swap3A_77] {strides = array<i32>} : memref<128x128xf32, #tpu.memory_space<vmem>>, vector<1x16xf32>,
      %swap3A_79 = vector.shape_cast %swap3A_78 : vector<1x16xf32> to vector<16xf32>
      %swap3A_80 = vector.shape_cast %broadcast_in_dim3A_1 : vector<16xf32> to vector<1x16xf32>
      tpu.vector_store %arg10[%swap3A_76, %swap3A_77], %swap3A_80 {strides = array<i32>} : memref<128x128xf32, #tpu.memory_space<vmem>>, vector<1x16xf32>,
      %scan3A_81 = arith.constant 0 : i32
      scf.yield %scan3A_81 : i32
    }
    %scan3A_7 = arith.constant 128 : i32
    %mul3A_8 = arith.constant 640 : i32
    %mul3A_9 = arith.muli %arg1, %mul3A_8 : i32
    %add3A_10 = arith.constant 0 : i32
    %add3A_11 = arith.addi %mul3A_9, %add3A_10 : i32
    "tpu.region"() ({
      %run_scoped3A = tpu.sem_alloc : memref<!tpu.dma_semaphore, #tpu.memory_space<semaphore_mem>>
      %dma_start3A = arith.constant 0 : i32
      %dma_start3A_40 = tpu.memref_slice %arg11[%add3A_11, %dma_start3A] : memref<10240x128xf32, #tpu.memory_space<vmem_shared>> -> memref<128x128xf32, #tpu.memory_space<vmem_shared>>
      %dma_start3A_41 = arith.constant 0 : i32
      %dma_start3A_42 = tpu.memref_slice %arg11[%add3A_11, %dma_start3A_41] : memref<10240x128xf32, #tpu.memory_space<vmem_shared>> -> memref<128x128xf32, #tpu.memory_space<vmem_shared>>
      tpu.enqueue_dma source(%arg10 : memref<128x128xf32, #tpu.memory_space<vmem>>) target(%dma_start3A_42 : memref<128x128xf32, #tpu.memory_space<vmem_shared>>) target_semaphore(%run_scoped3A : memref<!tpu.dma_semaphore, #tpu.memory_space<semaphore_mem>>)
      %dma_wait3A = arith.constant 0 : i32
      %dma_wait3A_43 = tpu.memref_slice %arg11[%add3A_11, %dma_wait3A] : memref<10240x128xf32, #tpu.memory_space<vmem_shared>> -> memref<128x128xf32, #tpu.memory_space<vmem_shared>>
      %dma_wait3A_44 = arith.constant 0 : i32
      %dma_wait3A_45 = tpu.memref_slice %arg11[%add3A_11, %dma_wait3A_44] : memref<10240x128xf32, #tpu.memory_space<vmem_shared>> -> memref<128x128xf32, #tpu.memory_space<vmem_shared>>
      tpu.wait_dma2 semaphore(%run_scoped3A : memref<!tpu.dma_semaphore, #tpu.memory_space<semaphore_mem>>) src(%arg10 : memref<128x128xf32, #tpu.memory_space<vmem>>) dst(%dma_wait3A_45 : memref<128x128xf32, #tpu.memory_space<vmem_shared>>)
      tpu.yield
    }) : () -> ()
    %mul3A_12 = arith.constant 640 : i32
    %mul3A_13 = arith.muli %arg1, %mul3A_12 : i32
    %add3A_14 = arith.constant 128 : i32
    %add3A_15 = arith.addi %mul3A_13, %add3A_14 : i32
    "tpu.region"() ({
      %run_scoped3A = tpu.sem_alloc : memref<!tpu.dma_semaphore, #tpu.memory_space<semaphore_mem>>
      %dma_start3A = arith.constant 0 : i32
      %dma_start3A_40 = tpu.memref_slice %arg11[%add3A_15, %dma_start3A] : memref<10240x128xf32, #tpu.memory_space<vmem_shared>> -> memref<128x128xf32, #tpu.memory_space<vmem_shared>>
      %dma_start3A_41 = arith.constant 0 : i32
      %dma_start3A_42 = tpu.memref_slice %arg11[%add3A_15, %dma_start3A_41] : memref<10240x128xf32, #tpu.memory_space<vmem_shared>> -> memref<128x128xf32, #tpu.memory_space<vmem_shared>>
      tpu.enqueue_dma source(%arg10 : memref<128x128xf32, #tpu.memory_space<vmem>>) target(%dma_start3A_42 : memref<128x128xf32, #tpu.memory_space<vmem_shared>>) target_semaphore(%run_scoped3A : memref<!tpu.dma_semaphore, #tpu.memory_space<semaphore_mem>>)
      %dma_wait3A = arith.constant 0 : i32
      %dma_wait3A_43 = tpu.memref_slice %arg11[%add3A_15, %dma_wait3A] : memref<10240x128xf32, #tpu.memory_space<vmem_shared>> -> memref<128x128xf32, #tpu.memory_space<vmem_shared>>
      %dma_wait3A_44 = arith.constant 0 : i32
      %dma_wait3A_45 = tpu.memref_slice %arg11[%add3A_15, %dma_wait3A_44] : memref<10240x128xf32, #tpu.memory_space<vmem_shared>> -> memref<128x128xf32, #tpu.memory_space<vmem_shared>>
      tpu.wait_dma2 semaphore(%run_scoped3A : memref<!tpu.dma_semaphore, #tpu.memory_space<semaphore_mem>>) src(%arg10 : memref<128x128xf32, #tpu.memory_space<vmem>>) dst(%dma_wait3A_45 : memref<128x128xf32, #tpu.memory_space<vmem_shared>>)
      tpu.yield
    }) : () -> ()
    %mul3A_16 = arith.constant 640 : i32
    %mul3A_17 = arith.muli %arg1, %mul3A_16 : i32
    %add3A_18 = arith.constant 256 : i32
    %add3A_19 = arith.addi %mul3A_17, %add3A_18 : i32
    "tpu.region"() ({
      %run_scoped3A = tpu.sem_alloc : memref<!tpu.dma_semaphore, #tpu.memory_space<semaphore_mem>>
      %dma_start3A = arith.constant 0 : i32
      %dma_start3A_40 = tpu.memref_slice %arg11[%add3A_19, %dma_start3A] : memref<10240x128xf32, #tpu.memory_space<vmem_shared>> -> memref<128x128xf32, #tpu.memory_space<vmem_shared>>
      %dma_start3A_41 = arith.constant 0 : i32
      %dma_start3A_42 = tpu.memref_slice %arg11[%add3A_19, %dma_start3A_41] : memref<10240x128xf32, #tpu.memory_space<vmem_shared>> -> memref<128x128xf32, #tpu.memory_space<vmem_shared>>
      tpu.enqueue_dma source(%arg10 : memref<128x128xf32, #tpu.memory_space<vmem>>) target(%dma_start3A_42 : memref<128x128xf32, #tpu.memory_space<vmem_shared>>) target_semaphore(%run_scoped3A : memref<!tpu.dma_semaphore, #tpu.memory_space<semaphore_mem>>)
      %dma_wait3A = arith.constant 0 : i32
      %dma_wait3A_43 = tpu.memref_slice %arg11[%add3A_19, %dma_wait3A] : memref<10240x128xf32, #tpu.memory_space<vmem_shared>> -> memref<128x128xf32, #tpu.memory_space<vmem_shared>>
      %dma_wait3A_44 = arith.constant 0 : i32
      %dma_wait3A_45 = tpu.memref_slice %arg11[%add3A_19, %dma_wait3A_44] : memref<10240x128xf32, #tpu.memory_space<vmem_shared>> -> memref<128x128xf32, #tpu.memory_space<vmem_shared>>
      tpu.wait_dma2 semaphore(%run_scoped3A : memref<!tpu.dma_semaphore, #tpu.memory_space<semaphore_mem>>) src(%arg10 : memref<128x128xf32, #tpu.memory_space<vmem>>) dst(%dma_wait3A_45 : memref<128x128xf32, #tpu.memory_space<vmem_shared>>)
      tpu.yield
    }) : () -> ()
    %mul3A_20 = arith.constant 640 : i32
    %mul3A_21 = arith.muli %arg1, %mul3A_20 : i32
    %add3A_22 = arith.constant 384 : i32
    %add3A_23 = arith.addi %mul3A_21, %add3A_22 : i32
    "tpu.region"() ({
      %run_scoped3A = tpu.sem_alloc : memref<!tpu.dma_semaphore, #tpu.memory_space<semaphore_mem>>
      %dma_start3A = arith.constant 0 : i32
      %dma_start3A_40 = tpu.memref_slice %arg11[%add3A_23, %dma_start3A] : memref<10240x128xf32, #tpu.memory_space<vmem_shared>> -> memref<128x128xf32, #tpu.memory_space<vmem_shared>>
      %dma_start3A_41 = arith.constant 0 : i32
      %dma_start3A_42 = tpu.memref_slice %arg11[%add3A_23, %dma_start3A_41] : memref<10240x128xf32, #tpu.memory_space<vmem_shared>> -> memref<128x128xf32, #tpu.memory_space<vmem_shared>>
      tpu.enqueue_dma source(%arg10 : memref<128x128xf32, #tpu.memory_space<vmem>>) target(%dma_start3A_42 : memref<128x128xf32, #tpu.memory_space<vmem_shared>>) target_semaphore(%run_scoped3A : memref<!tpu.dma_semaphore, #tpu.memory_space<semaphore_mem>>)
      %dma_wait3A = arith.constant 0 : i32
      %dma_wait3A_43 = tpu.memref_slice %arg11[%add3A_23, %dma_wait3A] : memref<10240x128xf32, #tpu.memory_space<vmem_shared>> -> memref<128x128xf32, #tpu.memory_space<vmem_shared>>
      %dma_wait3A_44 = arith.constant 0 : i32
      %dma_wait3A_45 = tpu.memref_slice %arg11[%add3A_23, %dma_wait3A_44] : memref<10240x128xf32, #tpu.memory_space<vmem_shared>> -> memref<128x128xf32, #tpu.memory_space<vmem_shared>>
      tpu.wait_dma2 semaphore(%run_scoped3A : memref<!tpu.dma_semaphore, #tpu.memory_space<semaphore_mem>>) src(%arg10 : memref<128x128xf32, #tpu.memory_space<vmem>>) dst(%dma_wait3A_45 : memref<128x128xf32, #tpu.memory_space<vmem_shared>>)
      tpu.yield
    }) : () -> ()
    %mul3A_24 = arith.constant 640 : i32
    %mul3A_25 = arith.muli %arg1, %mul3A_24 : i32
    %add3A_26 = arith.constant 512 : i32
    %add3A_27 = arith.addi %mul3A_25, %add3A_26 : i32
    "tpu.region"() ({
      %run_scoped3A = tpu.sem_alloc : memref<!tpu.dma_semaphore, #tpu.memory_space<semaphore_mem>>
      %dma_start3A = arith.constant 0 : i32
      %dma_start3A_40 = tpu.memref_slice %arg11[%add3A_27, %dma_start3A] : memref<10240x128xf32, #tpu.memory_space<vmem_shared>> -> memref<128x128xf32, #tpu.memory_space<vmem_shared>>
      %dma_start3A_41 = arith.constant 0 : i32
      %dma_start3A_42 = tpu.memref_slice %arg11[%add3A_27, %dma_start3A_41] : memref<10240x128xf32, #tpu.memory_space<vmem_shared>> -> memref<128x128xf32, #tpu.memory_space<vmem_shared>>
      tpu.enqueue_dma source(%arg10 : memref<128x128xf32, #tpu.memory_space<vmem>>) target(%dma_start3A_42 : memref<128x128xf32, #tpu.memory_space<vmem_shared>>) target_semaphore(%run_scoped3A : memref<!tpu.dma_semaphore, #tpu.memory_space<semaphore_mem>>)
      %dma_wait3A = arith.constant 0 : i32
      %dma_wait3A_43 = tpu.memref_slice %arg11[%add3A_27, %dma_wait3A] : memref<10240x128xf32, #tpu.memory_space<vmem_shared>> -> memref<128x128xf32, #tpu.memory_space<vmem_shared>>
      %dma_wait3A_44 = arith.constant 0 : i32
      %dma_wait3A_45 = tpu.memref_slice %arg11[%add3A_27, %dma_wait3A_44] : memref<10240x128xf32, #tpu.memory_space<vmem_shared>> -> memref<128x128xf32, #tpu.memory_space<vmem_shared>>
      tpu.wait_dma2 semaphore(%run_scoped3A : memref<!tpu.dma_semaphore, #tpu.memory_space<semaphore_mem>>) src(%arg10 : memref<128x128xf32, #tpu.memory_space<vmem>>) dst(%dma_wait3A_45 : memref<128x128xf32, #tpu.memory_space<vmem_shared>>)
      tpu.yield
    }) : () -> ()
    "tpu.region"() ({
      %run_scoped3A = tpu.sem_alloc : memref<!tpu.dma_semaphore, #tpu.memory_space<semaphore_mem>>
      %dma_start3A = arith.constant 0 : i32
      %dma_start3A_40 = arith.constant 0 : i32
      %dma_start3A_41 = tpu.memref_slice %arg3[%add3A, %dma_start3A, %dma_start3A_40] : memref<32x79x128xi32, #tpu.memory_space<hbm>> -> memref<1x79x128xi32, #tpu.memory_space<hbm>>
      %dma_start3A_42 = tpu.memref_squeeze %dma_start3A_41 : memref<1x79x128xi32, #tpu.memory_space<hbm>> -> memref<79x128xi32, #tpu.memory_space<hbm>>
      %dma_start3A_43 = arith.constant 0 : i32
      %dma_start3A_44 = arith.constant 0 : i32
      %dma_start3A_45 = tpu.memref_slice %arg3[%add3A, %dma_start3A_43, %dma_start3A_44] : memref<32x79x128xi32, #tpu.memory_space<hbm>> -> memref<1x79x128xi32, #tpu.memory_space<hbm>>
      %dma_start3A_46 = tpu.memref_squeeze %dma_start3A_45 : memref<1x79x128xi32, #tpu.memory_space<hbm>> -> memref<79x128xi32, #tpu.memory_space<hbm>>
      tpu.enqueue_dma source(%dma_start3A_46 : memref<79x128xi32, #tpu.memory_space<hbm>>) target(%arg7 : memref<79x128xi32, #tpu.memory_space<vmem>>) target_semaphore(%run_scoped3A : memref<!tpu.dma_semaphore, #tpu.memory_space<semaphore_mem>>)
      %dma_wait3A = arith.constant 0 : i32
      %dma_wait3A_47 = arith.constant 0 : i32
      %dma_wait3A_48 = tpu.memref_slice %arg3[%add3A, %dma_wait3A, %dma_wait3A_47] : memref<32x79x128xi32, #tpu.memory_space<hbm>> -> memref<1x79x128xi32, #tpu.memory_space<hbm>>
      %dma_wait3A_49 = tpu.memref_squeeze %dma_wait3A_48 : memref<1x79x128xi32, #tpu.memory_space<hbm>> -> memref<79x128xi32, #tpu.memory_space<hbm>>
      %dma_wait3A_50 = arith.constant 0 : i32
      %dma_wait3A_51 = arith.constant 0 : i32
      %dma_wait3A_52 = tpu.memref_slice %arg3[%add3A, %dma_wait3A_50, %dma_wait3A_51] : memref<32x79x128xi32, #tpu.memory_space<hbm>> -> memref<1x79x128xi32, #tpu.memory_space<hbm>>
      %dma_wait3A_53 = tpu.memref_squeeze %dma_wait3A_52 : memref<1x79x128xi32, #tpu.memory_space<hbm>> -> memref<79x128xi32, #tpu.memory_space<hbm>>
      tpu.wait_dma2 semaphore(%run_scoped3A : memref<!tpu.dma_semaphore, #tpu.memory_space<semaphore_mem>>) src(%dma_wait3A_53 : memref<79x128xi32, #tpu.memory_space<hbm>>) dst(%arg7 : memref<79x128xi32, #tpu.memory_space<vmem>>)
      tpu.yield
    }) : () -> ()
    "tpu.region"() ({
      %run_scoped3A = tpu.sem_alloc : memref<!tpu.dma_semaphore, #tpu.memory_space<semaphore_mem>>
      %dma_start3A = arith.constant 0 : i32
      %dma_start3A_40 = arith.constant 0 : i32
      %dma_start3A_41 = tpu.memref_slice %arg4[%add3A, %dma_start3A, %dma_start3A_40] : memref<32x79x128xi32, #tpu.memory_space<hbm>> -> memref<1x79x128xi32, #tpu.memory_space<hbm>>
      %dma_start3A_42 = tpu.memref_squeeze %dma_start3A_41 : memref<1x79x128xi32, #tpu.memory_space<hbm>> -> memref<79x128xi32, #tpu.memory_space<hbm>>
      %dma_start3A_43 = arith.constant 0 : i32
      %dma_start3A_44 = arith.constant 0 : i32
      %dma_start3A_45 = tpu.memref_slice %arg4[%add3A, %dma_start3A_43, %dma_start3A_44] : memref<32x79x128xi32, #tpu.memory_space<hbm>> -> memref<1x79x128xi32, #tpu.memory_space<hbm>>
      %dma_start3A_46 = tpu.memref_squeeze %dma_start3A_45 : memref<1x79x128xi32, #tpu.memory_space<hbm>> -> memref<79x128xi32, #tpu.memory_space<hbm>>
      tpu.enqueue_dma source(%dma_start3A_46 : memref<79x128xi32, #tpu.memory_space<hbm>>) target(%arg8 : memref<79x128xi32, #tpu.memory_space<vmem>>) target_semaphore(%run_scoped3A : memref<!tpu.dma_semaphore, #tpu.memory_space<semaphore_mem>>)
      %dma_wait3A = arith.constant 0 : i32
      %dma_wait3A_47 = arith.constant 0 : i32
      %dma_wait3A_48 = tpu.memref_slice %arg4[%add3A, %dma_wait3A, %dma_wait3A_47] : memref<32x79x128xi32, #tpu.memory_space<hbm>> -> memref<1x79x128xi32, #tpu.memory_space<hbm>>
      %dma_wait3A_49 = tpu.memref_squeeze %dma_wait3A_48 : memref<1x79x128xi32, #tpu.memory_space<hbm>> -> memref<79x128xi32, #tpu.memory_space<hbm>>
      %dma_wait3A_50 = arith.constant 0 : i32
      %dma_wait3A_51 = arith.constant 0 : i32
      %dma_wait3A_52 = tpu.memref_slice %arg4[%add3A, %dma_wait3A_50, %dma_wait3A_51] : memref<32x79x128xi32, #tpu.memory_space<hbm>> -> memref<1x79x128xi32, #tpu.memory_space<hbm>>
      %dma_wait3A_53 = tpu.memref_squeeze %dma_wait3A_52 : memref<1x79x128xi32, #tpu.memory_space<hbm>> -> memref<79x128xi32, #tpu.memory_space<hbm>>
      tpu.wait_dma2 semaphore(%run_scoped3A : memref<!tpu.dma_semaphore, #tpu.memory_space<semaphore_mem>>) src(%dma_wait3A_53 : memref<79x128xi32, #tpu.memory_space<hbm>>) dst(%arg8 : memref<79x128xi32, #tpu.memory_space<vmem>>)
      tpu.yield
    }) : () -> ()
    "tpu.region"() ({
      %run_scoped3A = tpu.sem_alloc : memref<!tpu.dma_semaphore, #tpu.memory_space<semaphore_mem>>
      %dma_start3A = arith.constant 0 : i32
      %dma_start3A_40 = arith.constant 0 : i32
      %dma_start3A_41 = tpu.memref_slice %arg5[%add3A, %dma_start3A, %dma_start3A_40] : memref<32x79x128xf32, #tpu.memory_space<hbm>> -> memref<1x79x128xf32, #tpu.memory_space<hbm>>
      %dma_start3A_42 = tpu.memref_squeeze %dma_start3A_41 : memref<1x79x128xf32, #tpu.memory_space<hbm>> -> memref<79x128xf32, #tpu.memory_space<hbm>>
      %dma_start3A_43 = arith.constant 0 : i32
      %dma_start3A_44 = arith.constant 0 : i32
      %dma_start3A_45 = tpu.memref_slice %arg5[%add3A, %dma_start3A_43, %dma_start3A_44] : memref<32x79x128xf32, #tpu.memory_space<hbm>> -> memref<1x79x128xf32, #tpu.memory_space<hbm>>
      %dma_start3A_46 = tpu.memref_squeeze %dma_start3A_45 : memref<1x79x128xf32, #tpu.memory_space<hbm>> -> memref<79x128xf32, #tpu.memory_space<hbm>>
      tpu.enqueue_dma source(%dma_start3A_46 : memref<79x128xf32, #tpu.memory_space<hbm>>) target(%arg9 : memref<79x128xf32, #tpu.memory_space<vmem>>) target_semaphore(%run_scoped3A : memref<!tpu.dma_semaphore, #tpu.memory_space<semaphore_mem>>)
      %dma_wait3A = arith.constant 0 : i32
      %dma_wait3A_47 = arith.constant 0 : i32
      %dma_wait3A_48 = tpu.memref_slice %arg5[%add3A, %dma_wait3A, %dma_wait3A_47] : memref<32x79x128xf32, #tpu.memory_space<hbm>> -> memref<1x79x128xf32, #tpu.memory_space<hbm>>
      %dma_wait3A_49 = tpu.memref_squeeze %dma_wait3A_48 : memref<1x79x128xf32, #tpu.memory_space<hbm>> -> memref<79x128xf32, #tpu.memory_space<hbm>>
      %dma_wait3A_50 = arith.constant 0 : i32
      %dma_wait3A_51 = arith.constant 0 : i32
      %dma_wait3A_52 = tpu.memref_slice %arg5[%add3A, %dma_wait3A_50, %dma_wait3A_51] : memref<32x79x128xf32, #tpu.memory_space<hbm>> -> memref<1x79x128xf32, #tpu.memory_space<hbm>>
      %dma_wait3A_53 = tpu.memref_squeeze %dma_wait3A_52 : memref<1x79x128xf32, #tpu.memory_space<hbm>> -> memref<79x128xf32, #tpu.memory_space<hbm>>
      tpu.wait_dma2 semaphore(%run_scoped3A : memref<!tpu.dma_semaphore, #tpu.memory_space<semaphore_mem>>) src(%dma_wait3A_53 : memref<79x128xf32, #tpu.memory_space<hbm>>) dst(%arg9 : memref<79x128xf32, #tpu.memory_space<vmem>>)
      tpu.yield
    }) : () -> ()
    %barrier3A = arith.constant 0 : index
    tpu.barrier barrier_id(%barrier3A)
    %scan3A_28 = arith.constant 0 : i32
    %scan3A_29 = arith.constant 0 : i32
    %scan3A_30 = arith.constant 79 : i32
    %scan3A_31 = arith.addi %scan3A_29, %scan3A_30 : i32
    %scan3A_32 = arith.constant 1 : i32
    %scan3A_33 = scf.for %scan3A_40 = %scan3A_29 to %scan3A_31 step %scan3A_32 iter_args(%scan3A_41 = %scan3A_28) -> (i32)  : i32 {
      %dma_start3A = arith.constant 0 : i32
      %dma_start3A_42 = tpu.memref_slice %arg7[%scan3A_40, %dma_start3A] : memref<79x128xi32, #tpu.memory_space<vmem>> -> memref<1x128xi32, #tpu.memory_space<vmem>>
      %dma_start3A_43 = tpu.memref_squeeze %dma_start3A_42 : memref<1x128xi32, #tpu.memory_space<vmem>> -> memref<128xi32, #tpu.memory_space<vmem>>
      %dma_start3A_44 = arith.constant 0 : i32
      %dma_start3A_45 = arith.constant 0 : i32
      %dma_start3A_46 = tpu.memref_slice %arg2[%dma_start3A_44, %dma_start3A_45] : memref<10000x128xf32, #tpu.memory_space<hbm>> -> memref<10000x128xf32, #tpu.memory_space<hbm>>
      tpu.enqueue_indirect_dma source(%dma_start3A_46 : memref<10000x128xf32, #tpu.memory_space<hbm>>) target(%arg10 : memref<128x128xf32, #tpu.memory_space<vmem>>) offsets(%dma_start3A_43 : memref<128xi32, #tpu.memory_space<vmem>>) semaphore(%arg12 : memref<!tpu.dma_semaphore, #tpu.memory_space<semaphore_mem>>)
      %dma_wait3A = arith.constant 0 : i32
      %dma_wait3A_47 = tpu.memref_slice %arg7[%scan3A_40, %dma_wait3A] : memref<79x128xi32, #tpu.memory_space<vmem>> -> memref<1x128xi32, #tpu.memory_space<vmem>>
      %dma_wait3A_48 = tpu.memref_squeeze %dma_wait3A_47 : memref<1x128xi32, #tpu.memory_space<vmem>> -> memref<128xi32, #tpu.memory_space<vmem>>
      %dma_wait3A_49 = arith.constant 0 : i32
      %dma_wait3A_50 = arith.constant 0 : i32
      %dma_wait3A_51 = tpu.memref_slice %arg2[%dma_wait3A_49, %dma_wait3A_50] : memref<10000x128xf32, #tpu.memory_space<hbm>> -> memref<10000x128xf32, #tpu.memory_space<hbm>>
      tpu.wait_indirect_dma semaphore(%arg12 : memref<!tpu.dma_semaphore, #tpu.memory_space<semaphore_mem>>) src(%dma_wait3A_51 : memref<10000x128xf32, #tpu.memory_space<hbm>>) dst(%arg10 : memref<128x128xf32, #tpu.memory_space<vmem>>)
      %scan3A_52 = arith.constant 0 : i32
      %scan3A_53 = arith.constant 0 : i32
      %scan3A_54 = arith.constant 128 : i32
      %scan3A_55 = arith.addi %scan3A_53, %scan3A_54 : i32
      %scan3A_56 = arith.constant 1 : i32
      %scan3A_57 = scf.for %scan3A_60 = %scan3A_53 to %scan3A_55 step %scan3A_56 iter_args(%scan3A_61 = %scan3A_52) -> (i32)  : i32 {
        %shift_right_logical3A = arith.constant 4 : i32
        %shift_right_logical3A_62 = arith.shrui %scan3A_60, %shift_right_logical3A : i32
        %mul3A_63 = arith.constant 16 : i32
        %mul3A_64 = arith.muli %shift_right_logical3A_62, %mul3A_63 : i32
        %get3A = arith.index_cast %scan3A_40 : i32 to index
        %get3A_65 = arith.index_cast %mul3A_64 : i32 to index
        %get3A_66 = tpu.vector_load %arg9[%get3A, %get3A_65] {strides = array<i32>} : memref<79x128xf32, #tpu.memory_space<vmem>>, vector<1x16xf32>,
        %get3A_67 = vector.shape_cast %get3A_66 : vector<1x16xf32> to vector<16xf32>
        %and3A = arith.constant 15 : i32
        %and3A_68 = arith.andi %scan3A_60, %and3A : i32
        %broadcast_in_dim3A_69 = vector.broadcast %and3A_68 : i32 to vector<16x1xi32>
        %gather3A = vector.shape_cast %broadcast_in_dim3A_69 : vector<16x1xi32> to vector<16xi32>
        %gather3A_70 = tpu.dynamic_gather %get3A_67[%gather3A] in [0] : vector<16xf32>, vector<16xi32> -> vector<16xf32>
        %get3A_71 = arith.index_cast %scan3A_60 : i32 to index
        %get3A_72 = arith.constant 0 : index
        %get3A_73 = tpu.vector_load %arg10[%get3A_71, %get3A_72] {strides = array<i32>} : memref<128x128xf32, #tpu.memory_space<vmem>>, vector<1x16xf32>,
        %get3A_74 = vector.shape_cast %get3A_73 : vector<1x16xf32> to vector<16xf32>
        %mul3A_75 = arith.mulf %get3A_74, %gather3A_70 : vector<16xf32>
        %swap3A = arith.index_cast %scan3A_60 : i32 to index
        %swap3A_76 = arith.constant 0 : index
        %swap3A_77 = tpu.vector_load %arg10[%swap3A, %swap3A_76] {strides = array<i32>} : memref<128x128xf32, #tpu.memory_space<vmem>>, vector<1x16xf32>,
        %swap3A_78 = vector.shape_cast %swap3A_77 : vector<1x16xf32> to vector<16xf32>
        %swap3A_79 = vector.shape_cast %mul3A_75 : vector<16xf32> to vector<1x16xf32>
        tpu.vector_store %arg10[%swap3A, %swap3A_76], %swap3A_79 {strides = array<i32>} : memref<128x128xf32, #tpu.memory_space<vmem>>, vector<1x16xf32>,
        %get3A_80 = arith.index_cast %scan3A_60 : i32 to index
        %get3A_81 = arith.constant 16 : index
        %get3A_82 = tpu.vector_load %arg10[%get3A_80, %get3A_81] {strides = array<i32>} : memref<128x128xf32, #tpu.memory_space<vmem>>, vector<1x16xf32>,
        %get3A_83 = vector.shape_cast %get3A_82 : vector<1x16xf32> to vector<16xf32>
        %mul3A_84 = arith.mulf %get3A_83, %gather3A_70 : vector<16xf32>
        %swap3A_85 = arith.index_cast %scan3A_60 : i32 to index
        %swap3A_86 = arith.constant 16 : index
        %swap3A_87 = tpu.vector_load %arg10[%swap3A_85, %swap3A_86] {strides = array<i32>} : memref<128x128xf32, #tpu.memory_space<vmem>>, vector<1x16xf32>,
        %swap3A_88 = vector.shape_cast %swap3A_87 : vector<1x16xf32> to vector<16xf32>
        %swap3A_89 = vector.shape_cast %mul3A_84 : vector<16xf32> to vector<1x16xf32>
        tpu.vector_store %arg10[%swap3A_85, %swap3A_86], %swap3A_89 {strides = array<i32>} : memref<128x128xf32, #tpu.memory_space<vmem>>, vector<1x16xf32>,
        %get3A_90 = arith.index_cast %scan3A_60 : i32 to index
        %get3A_91 = arith.constant 32 : index
        %get3A_92 = tpu.vector_load %arg10[%get3A_90, %get3A_91] {strides = array<i32>} : memref<128x128xf32, #tpu.memory_space<vmem>>, vector<1x16xf32>,
        %get3A_93 = vector.shape_cast %get3A_92 : vector<1x16xf32> to vector<16xf32>
        %mul3A_94 = arith.mulf %get3A_93, %gather3A_70 : vector<16xf32>
        %swap3A_95 = arith.index_cast %scan3A_60 : i32 to index
        %swap3A_96 = arith.constant 32 : index
        %swap3A_97 = tpu.vector_load %arg10[%swap3A_95, %swap3A_96] {strides = array<i32>} : memref<128x128xf32, #tpu.memory_space<vmem>>, vector<1x16xf32>,
        %swap3A_98 = vector.shape_cast %swap3A_97 : vector<1x16xf32> to vector<16xf32>
        %swap3A_99 = vector.shape_cast %mul3A_94 : vector<16xf32> to vector<1x16xf32>
        tpu.vector_store %arg10[%swap3A_95, %swap3A_96], %swap3A_99 {strides = array<i32>} : memref<128x128xf32, #tpu.memory_space<vmem>>, vector<1x16xf32>,
        %get3A_100 = arith.index_cast %scan3A_60 : i32 to index
        %get3A_101 = arith.constant 48 : index
        %get3A_102 = tpu.vector_load %arg10[%get3A_100, %get3A_101] {strides = array<i32>} : memref<128x128xf32, #tpu.memory_space<vmem>>, vector<1x16xf32>,
        %get3A_103 = vector.shape_cast %get3A_102 : vector<1x16xf32> to vector<16xf32>
        %mul3A_104 = arith.mulf %get3A_103, %gather3A_70 : vector<16xf32>
        %swap3A_105 = arith.index_cast %scan3A_60 : i32 to index
        %swap3A_106 = arith.constant 48 : index
        %swap3A_107 = tpu.vector_load %arg10[%swap3A_105, %swap3A_106] {strides = array<i32>} : memref<128x128xf32, #tpu.memory_space<vmem>>, vector<1x16xf32>,
        %swap3A_108 = vector.shape_cast %swap3A_107 : vector<1x16xf32> to vector<16xf32>
        %swap3A_109 = vector.shape_cast %mul3A_104 : vector<16xf32> to vector<1x16xf32>
        tpu.vector_store %arg10[%swap3A_105, %swap3A_106], %swap3A_109 {strides = array<i32>} : memref<128x128xf32, #tpu.memory_space<vmem>>, vector<1x16xf32>,
        %get3A_110 = arith.index_cast %scan3A_60 : i32 to index
        %get3A_111 = arith.constant 64 : index
        %get3A_112 = tpu.vector_load %arg10[%get3A_110, %get3A_111] {strides = array<i32>} : memref<128x128xf32, #tpu.memory_space<vmem>>, vector<1x16xf32>,
        %get3A_113 = vector.shape_cast %get3A_112 : vector<1x16xf32> to vector<16xf32>
        %mul3A_114 = arith.mulf %get3A_113, %gather3A_70 : vector<16xf32>
        %swap3A_115 = arith.index_cast %scan3A_60 : i32 to index
        %swap3A_116 = arith.constant 64 : index
        %swap3A_117 = tpu.vector_load %arg10[%swap3A_115, %swap3A_116] {strides = array<i32>} : memref<128x128xf32, #tpu.memory_space<vmem>>, vector<1x16xf32>,
        %swap3A_118 = vector.shape_cast %swap3A_117 : vector<1x16xf32> to vector<16xf32>
        %swap3A_119 = vector.shape_cast %mul3A_114 : vector<16xf32> to vector<1x16xf32>
        tpu.vector_store %arg10[%swap3A_115, %swap3A_116], %swap3A_119 {strides = array<i32>} : memref<128x128xf32, #tpu.memory_space<vmem>>, vector<1x16xf32>,
        %get3A_120 = arith.index_cast %scan3A_60 : i32 to index
        %get3A_121 = arith.constant 80 : index
        %get3A_122 = tpu.vector_load %arg10[%get3A_120, %get3A_121] {strides = array<i32>} : memref<128x128xf32, #tpu.memory_space<vmem>>, vector<1x16xf32>,
        %get3A_123 = vector.shape_cast %get3A_122 : vector<1x16xf32> to vector<16xf32>
        %mul3A_124 = arith.mulf %get3A_123, %gather3A_70 : vector<16xf32>
        %swap3A_125 = arith.index_cast %scan3A_60 : i32 to index
        %swap3A_126 = arith.constant 80 : index
        %swap3A_127 = tpu.vector_load %arg10[%swap3A_125, %swap3A_126] {strides = array<i32>} : memref<128x128xf32, #tpu.memory_space<vmem>>, vector<1x16xf32>,
        %swap3A_128 = vector.shape_cast %swap3A_127 : vector<1x16xf32> to vector<16xf32>
        %swap3A_129 = vector.shape_cast %mul3A_124 : vector<16xf32> to vector<1x16xf32>
        tpu.vector_store %arg10[%swap3A_125, %swap3A_126], %swap3A_129 {strides = array<i32>} : memref<128x128xf32, #tpu.memory_space<vmem>>, vector<1x16xf32>,
        %get3A_130 = arith.index_cast %scan3A_60 : i32 to index
        %get3A_131 = arith.constant 96 : index
        %get3A_132 = tpu.vector_load %arg10[%get3A_130, %get3A_131] {strides = array<i32>} : memref<128x128xf32, #tpu.memory_space<vmem>>, vector<1x16xf32>,
        %get3A_133 = vector.shape_cast %get3A_132 : vector<1x16xf32> to vector<16xf32>
        %mul3A_134 = arith.mulf %get3A_133, %gather3A_70 : vector<16xf32>
        %swap3A_135 = arith.index_cast %scan3A_60 : i32 to index
        %swap3A_136 = arith.constant 96 : index
        %swap3A_137 = tpu.vector_load %arg10[%swap3A_135, %swap3A_136] {strides = array<i32>} : memref<128x128xf32, #tpu.memory_space<vmem>>, vector<1x16xf32>,
        %swap3A_138 = vector.shape_cast %swap3A_137 : vector<1x16xf32> to vector<16xf32>
        %swap3A_139 = vector.shape_cast %mul3A_134 : vector<16xf32> to vector<1x16xf32>
        tpu.vector_store %arg10[%swap3A_135, %swap3A_136], %swap3A_139 {strides = array<i32>} : memref<128x128xf32, #tpu.memory_space<vmem>>, vector<1x16xf32>,
        %get3A_140 = arith.index_cast %scan3A_60 : i32 to index
        %get3A_141 = arith.constant 112 : index
        %get3A_142 = tpu.vector_load %arg10[%get3A_140, %get3A_141] {strides = array<i32>} : memref<128x128xf32, #tpu.memory_space<vmem>>, vector<1x16xf32>,
        %get3A_143 = vector.shape_cast %get3A_142 : vector<1x16xf32> to vector<16xf32>
        %mul3A_144 = arith.mulf %get3A_143, %gather3A_70 : vector<16xf32>
        %swap3A_145 = arith.index_cast %scan3A_60 : i32 to index
        %swap3A_146 = arith.constant 112 : index
        %swap3A_147 = tpu.vector_load %arg10[%swap3A_145, %swap3A_146] {strides = array<i32>} : memref<128x128xf32, #tpu.memory_space<vmem>>, vector<1x16xf32>,
        %swap3A_148 = vector.shape_cast %swap3A_147 : vector<1x16xf32> to vector<16xf32>
        %swap3A_149 = vector.shape_cast %mul3A_144 : vector<16xf32> to vector<1x16xf32>
        tpu.vector_store %arg10[%swap3A_145, %swap3A_146], %swap3A_149 {strides = array<i32>} : memref<128x128xf32, #tpu.memory_space<vmem>>, vector<1x16xf32>,
        %scan3A_150 = arith.constant 0 : i32
        scf.yield %scan3A_150 : i32
      }
      %scan3A_58 = arith.constant 128 : i32
      "tpu.region"() ({
        %run_scoped3A = tpu.sem_alloc : memref<!tpu.dma_semaphore, #tpu.memory_space<semaphore_mem>>
        %dma_start3A_60 = arith.constant 0 : i32
        %dma_start3A_61 = tpu.memref_slice %arg8[%scan3A_40, %dma_start3A_60] : memref<79x128xi32, #tpu.memory_space<vmem>> -> memref<1x128xi32, #tpu.memory_space<vmem>>
        %dma_start3A_62 = tpu.memref_squeeze %dma_start3A_61 : memref<1x128xi32, #tpu.memory_space<vmem>> -> memref<128xi32, #tpu.memory_space<vmem>>
        %dma_start3A_63 = arith.constant 0 : i32
        %dma_start3A_64 = arith.constant 0 : i32
        %dma_start3A_65 = tpu.memref_slice %arg11[%dma_start3A_63, %dma_start3A_64] : memref<10240x128xf32, #tpu.memory_space<vmem_shared>> -> memref<10240x128xf32, #tpu.memory_space<vmem_shared>>
        tpu.enqueue_indirect_dma source(%arg10 : memref<128x128xf32, #tpu.memory_space<vmem>>) target(%dma_start3A_65 : memref<10240x128xf32, #tpu.memory_space<vmem_shared>>) offsets(%dma_start3A_62 : memref<128xi32, #tpu.memory_space<vmem>>) semaphore(%run_scoped3A : memref<!tpu.dma_semaphore, #tpu.memory_space<semaphore_mem>>) {add = true}
        %dma_wait3A_66 = arith.constant 0 : i32
        %dma_wait3A_67 = tpu.memref_slice %arg8[%scan3A_40, %dma_wait3A_66] : memref<79x128xi32, #tpu.memory_space<vmem>> -> memref<1x128xi32, #tpu.memory_space<vmem>>
        %dma_wait3A_68 = tpu.memref_squeeze %dma_wait3A_67 : memref<1x128xi32, #tpu.memory_space<vmem>> -> memref<128xi32, #tpu.memory_space<vmem>>
        %dma_wait3A_69 = arith.constant 0 : i32
        %dma_wait3A_70 = arith.constant 0 : i32
        %dma_wait3A_71 = tpu.memref_slice %arg11[%dma_wait3A_69, %dma_wait3A_70] : memref<10240x128xf32, #tpu.memory_space<vmem_shared>> -> memref<10240x128xf32, #tpu.memory_space<vmem_shared>>
        tpu.wait_indirect_dma semaphore(%run_scoped3A : memref<!tpu.dma_semaphore, #tpu.memory_space<semaphore_mem>>) src(%arg10 : memref<128x128xf32, #tpu.memory_space<vmem>>) dst(%dma_wait3A_71 : memref<10240x128xf32, #tpu.memory_space<vmem_shared>>)
        tpu.yield
      }) : () -> ()
      %scan3A_59 = arith.constant 0 : i32
      scf.yield %scan3A_59 : i32
    }
    %scan3A_34 = arith.constant 79 : i32
    %barrier3A_35 = arith.constant 0 : index
    tpu.barrier barrier_id(%barrier3A_35)
    %mul3A_36 = arith.constant 640 : i32
    %mul3A_37 = arith.muli %arg1, %mul3A_36 : i32
    %mul3A_38 = arith.constant 640 : i32
    %mul3A_39 = arith.muli %arg1, %mul3A_38 : i32
    "tpu.region"() ({
      %run_scoped3A = tpu.sem_alloc : memref<!tpu.dma_semaphore, #tpu.memory_space<semaphore_mem>>
      %dma_start3A = arith.constant 0 : i32
      %dma_start3A_40 = tpu.memref_slice %arg6[%arg0, %mul3A_39, %dma_start3A] : memref<2x10240x128xf32, #tpu.memory_space<hbm>> -> memref<1x640x128xf32, #tpu.memory_space<hbm>>
      %dma_start3A_41 = tpu.memref_squeeze %dma_start3A_40 : memref<1x640x128xf32, #tpu.memory_space<hbm>> -> memref<640x128xf32, #tpu.memory_space<hbm>>
      %dma_start3A_42 = arith.constant 0 : i32
      %dma_start3A_43 = tpu.memref_slice %arg11[%mul3A_37, %dma_start3A_42] : memref<10240x128xf32, #tpu.memory_space<vmem_shared>> -> memref<640x128xf32, #tpu.memory_space<vmem_shared>>
      tpu.enqueue_dma source(%dma_start3A_43 : memref<640x128xf32, #tpu.memory_space<vmem_shared>>) target(%dma_start3A_41 : memref<640x128xf32, #tpu.memory_space<hbm>>) target_semaphore(%run_scoped3A : memref<!tpu.dma_semaphore, #tpu.memory_space<semaphore_mem>>)
      %dma_wait3A = arith.constant 0 : i32
      %dma_wait3A_44 = tpu.memref_slice %arg6[%arg0, %mul3A_39, %dma_wait3A] : memref<2x10240x128xf32, #tpu.memory_space<hbm>> -> memref<1x640x128xf32, #tpu.memory_space<hbm>>
      %dma_wait3A_45 = tpu.memref_squeeze %dma_wait3A_44 : memref<1x640x128xf32, #tpu.memory_space<hbm>> -> memref<640x128xf32, #tpu.memory_space<hbm>>
      %dma_wait3A_46 = arith.constant 0 : i32
      %dma_wait3A_47 = tpu.memref_slice %arg11[%mul3A_37, %dma_wait3A_46] : memref<10240x128xf32, #tpu.memory_space<vmem_shared>> -> memref<640x128xf32, #tpu.memory_space<vmem_shared>>
      tpu.wait_dma2 semaphore(%run_scoped3A : memref<!tpu.dma_semaphore, #tpu.memory_space<semaphore_mem>>) src(%dma_wait3A_47 : memref<640x128xf32, #tpu.memory_space<vmem_shared>>) dst(%dma_wait3A_45 : memref<640x128xf32, #tpu.memory_space<hbm>>)
      tpu.yield
    }) : () -> ()
    return
  }
}

#map = affine_map<(d0, d1) -> (0, 0)>
#map1 = affine_map<(d0, d1) -> (0, 0, 0)>
module attributes {stable_mosaic.version = 14 : i64} {
  func.func @acc_kernel(%arg0: i32, %arg1: i32, %arg2: memref<10000x128xf32, #tpu.memory_space<hbm>>, %arg3: memref<32x79x128xi32, #tpu.memory_space<hbm>>, %arg4: memref<32x79x128xi32, #tpu.memory_space<hbm>>, %arg5: memref<32x79x128xf32, #tpu.memory_space<hbm>>, %arg6: memref<2x10240x128xf32, #tpu.memory_space<hbm>>, %arg7: memref<79x128xi32, #tpu.memory_space<vmem>>, %arg8: memref<79x128xi32, #tpu.memory_space<vmem>>, %arg9: memref<79x128xf32, #tpu.memory_space<vmem>>, %arg10: memref<128x128xf32, #tpu.memory_space<vmem>>, %arg11: memref<10240x128xf32, #tpu.memory_space<vmem_shared>>, %arg12: memref<!tpu.dma_semaphore, #tpu.memory_space<semaphore_mem>>) attributes {dimension_semantics = [#tpu.dimension_semantics<core_parallel>, #tpu.dimension_semantics<subcore_parallel>], iteration_bounds = array<i64: 2, 16>, scalar_prefetch = 0 : i64, scratch_operands = 6 : i64, tpu.core_type = #tpu.core_type<sc_vector_subcore>, window_params = [{transform_indices = #map}, {transform_indices = #map1}, {transform_indices = #map1}, {transform_indices = #map1}, {transform_indices = #map1}]} {
    %mul3A = arith.constant 2 : i32
    %mul3A_0 = arith.muli %arg1, %mul3A : i32
    %add3A = arith.addi %mul3A_0, %arg0 : i32
    %broadcast_in_dim3A = arith.constant 0.000000e+00 : f32
    %broadcast_in_dim3A_1 = vector.broadcast %broadcast_in_dim3A : f32 to vector<16xf32>
    %scan3A = arith.constant 0 : i32
    %scan3A_2 = arith.constant 0 : i32
    %scan3A_3 = arith.constant 128 : i32
    %scan3A_4 = arith.addi %scan3A_2, %scan3A_3 : i32
    %scan3A_5 = arith.constant 1 : i32
    %scan3A_6 = scf.for %scan3A_40 = %scan3A_2 to %scan3A_4 step %scan3A_5 iter_args(%scan3A_41 = %scan3A) -> (i32)  : i32 {
      %swap3A = arith.index_cast %scan3A_40 : i32 to index
      %swap3A_42 = arith.constant 0 : index
      %swap3A_43 = tpu.vector_load %arg10[%swap3A, %swap3A_42] {strides = array<i32>} : memref<128x128xf32, #tpu.memory_space<vmem>>, vector<1x16xf32>,
      %swap3A_44 = vector.shape_cast %swap3A_43 : vector<1x16xf32> to vector<16xf32>
      %swap3A_45 = vector.shape_cast %broadcast_in_dim3A_1 : vector<16xf32> to vector<1x16xf32>
      tpu.vector_store %arg10[%swap3A, %swap3A_42], %swap3A_45 {strides = array<i32>} : memref<128x128xf32, #tpu.memory_space<vmem>>, vector<1x16xf32>,
      %swap3A_46 = arith.index_cast %scan3A_40 : i32 to index
      %swap3A_47 = arith.constant 16 : index
      %swap3A_48 = tpu.vector_load %arg10[%swap3A_46, %swap3A_47] {strides = array<i32>} : memref<128x128xf32, #tpu.memory_space<vmem>>, vector<1x16xf32>,
      %swap3A_49 = vector.shape_cast %swap3A_48 : vector<1x16xf32> to vector<16xf32>
      %swap3A_50 = vector.shape_cast %broadcast_in_dim3A_1 : vector<16xf32> to vector<1x16xf32>
      tpu.vector_store %arg10[%swap3A_46, %swap3A_47], %swap3A_50 {strides = array<i32>} : memref<128x128xf32, #tpu.memory_space<vmem>>, vector<1x16xf32>,
      %swap3A_51 = arith.index_cast %scan3A_40 : i32 to index
      %swap3A_52 = arith.constant 32 : index
      %swap3A_53 = tpu.vector_load %arg10[%swap3A_51, %swap3A_52] {strides = array<i32>} : memref<128x128xf32, #tpu.memory_space<vmem>>, vector<1x16xf32>,
      %swap3A_54 = vector.shape_cast %swap3A_53 : vector<1x16xf32> to vector<16xf32>
      %swap3A_55 = vector.shape_cast %broadcast_in_dim3A_1 : vector<16xf32> to vector<1x16xf32>
      tpu.vector_store %arg10[%swap3A_51, %swap3A_52], %swap3A_55 {strides = array<i32>} : memref<128x128xf32, #tpu.memory_space<vmem>>, vector<1x16xf32>,
      %swap3A_56 = arith.index_cast %scan3A_40 : i32 to index
      %swap3A_57 = arith.constant 48 : index
      %swap3A_58 = tpu.vector_load %arg10[%swap3A_56, %swap3A_57] {strides = array<i32>} : memref<128x128xf32, #tpu.memory_space<vmem>>, vector<1x16xf32>,
      %swap3A_59 = vector.shape_cast %swap3A_58 : vector<1x16xf32> to vector<16xf32>
      %swap3A_60 = vector.shape_cast %broadcast_in_dim3A_1 : vector<16xf32> to vector<1x16xf32>
      tpu.vector_store %arg10[%swap3A_56, %swap3A_57], %swap3A_60 {strides = array<i32>} : memref<128x128xf32, #tpu.memory_space<vmem>>, vector<1x16xf32>,
      %swap3A_61 = arith.index_cast %scan3A_40 : i32 to index
      %swap3A_62 = arith.constant 64 : index
      %swap3A_63 = tpu.vector_load %arg10[%swap3A_61, %swap3A_62] {strides = array<i32>} : memref<128x128xf32, #tpu.memory_space<vmem>>, vector<1x16xf32>,
      %swap3A_64 = vector.shape_cast %swap3A_63 : vector<1x16xf32> to vector<16xf32>
      %swap3A_65 = vector.shape_cast %broadcast_in_dim3A_1 : vector<16xf32> to vector<1x16xf32>
      tpu.vector_store %arg10[%swap3A_61, %swap3A_62], %swap3A_65 {strides = array<i32>} : memref<128x128xf32, #tpu.memory_space<vmem>>, vector<1x16xf32>,
      %swap3A_66 = arith.index_cast %scan3A_40 : i32 to index
      %swap3A_67 = arith.constant 80 : index
      %swap3A_68 = tpu.vector_load %arg10[%swap3A_66, %swap3A_67] {strides = array<i32>} : memref<128x128xf32, #tpu.memory_space<vmem>>, vector<1x16xf32>,
      %swap3A_69 = vector.shape_cast %swap3A_68 : vector<1x16xf32> to vector<16xf32>
      %swap3A_70 = vector.shape_cast %broadcast_in_dim3A_1 : vector<16xf32> to vector<1x16xf32>
      tpu.vector_store %arg10[%swap3A_66, %swap3A_67], %swap3A_70 {strides = array<i32>} : memref<128x128xf32, #tpu.memory_space<vmem>>, vector<1x16xf32>,
      %swap3A_71 = arith.index_cast %scan3A_40 : i32 to index
      %swap3A_72 = arith.constant 96 : index
      %swap3A_73 = tpu.vector_load %arg10[%swap3A_71, %swap3A_72] {strides = array<i32>} : memref<128x128xf32, #tpu.memory_space<vmem>>, vector<1x16xf32>,
      %swap3A_74 = vector.shape_cast %swap3A_73 : vector<1x16xf32> to vector<16xf32>
      %swap3A_75 = vector.shape_cast %broadcast_in_dim3A_1 : vector<16xf32> to vector<1x16xf32>
      tpu.vector_store %arg10[%swap3A_71, %swap3A_72], %swap3A_75 {strides = array<i32>} : memref<128x128xf32, #tpu.memory_space<vmem>>, vector<1x16xf32>,
      %swap3A_76 = arith.index_cast %scan3A_40 : i32 to index
      %swap3A_77 = arith.constant 112 : index
      %swap3A_78 = tpu.vector_load %arg10[%swap3A_76, %swap3A_77] {strides = array<i32>} : memref<128x128xf32, #tpu.memory_space<vmem>>, vector<1x16xf32>,
      %swap3A_79 = vector.shape_cast %swap3A_78 : vector<1x16xf32> to vector<16xf32>
      %swap3A_80 = vector.shape_cast %broadcast_in_dim3A_1 : vector<16xf32> to vector<1x16xf32>
      tpu.vector_store %arg10[%swap3A_76, %swap3A_77], %swap3A_80 {strides = array<i32>} : memref<128x128xf32, #tpu.memory_space<vmem>>, vector<1x16xf32>,
      %scan3A_81 = arith.constant 0 : i32
      scf.yield %scan3A_81 : i32
    }
    %scan3A_7 = arith.constant 128 : i32
    %mul3A_8 = arith.constant 640 : i32
    %mul3A_9 = arith.muli %arg1, %mul3A_8 : i32
    %add3A_10 = arith.constant 0 : i32
    %add3A_11 = arith.addi %mul3A_9, %add3A_10 : i32
    "tpu.region"() ({
      %run_scoped3A = tpu.sem_alloc : memref<!tpu.dma_semaphore, #tpu.memory_space<semaphore_mem>>
      %dma_start3A = arith.constant 0 : i32
      %dma_start3A_40 = tpu.memref_slice %arg11[%add3A_11, %dma_start3A] : memref<10240x128xf32, #tpu.memory_space<vmem_shared>> -> memref<128x128xf32, #tpu.memory_space<vmem_shared>>
      %dma_start3A_41 = arith.constant 0 : i32
      %dma_start3A_42 = tpu.memref_slice %arg11[%add3A_11, %dma_start3A_41] : memref<10240x128xf32, #tpu.memory_space<vmem_shared>> -> memref<128x128xf32, #tpu.memory_space<vmem_shared>>
      tpu.enqueue_dma source(%arg10 : memref<128x128xf32, #tpu.memory_space<vmem>>) target(%dma_start3A_42 : memref<128x128xf32, #tpu.memory_space<vmem_shared>>) target_semaphore(%run_scoped3A : memref<!tpu.dma_semaphore, #tpu.memory_space<semaphore_mem>>)
      %dma_wait3A = arith.constant 0 : i32
      %dma_wait3A_43 = tpu.memref_slice %arg11[%add3A_11, %dma_wait3A] : memref<10240x128xf32, #tpu.memory_space<vmem_shared>> -> memref<128x128xf32, #tpu.memory_space<vmem_shared>>
      %dma_wait3A_44 = arith.constant 0 : i32
      %dma_wait3A_45 = tpu.memref_slice %arg11[%add3A_11, %dma_wait3A_44] : memref<10240x128xf32, #tpu.memory_space<vmem_shared>> -> memref<128x128xf32, #tpu.memory_space<vmem_shared>>
      tpu.wait_dma2 semaphore(%run_scoped3A : memref<!tpu.dma_semaphore, #tpu.memory_space<semaphore_mem>>) src(%arg10 : memref<128x128xf32, #tpu.memory_space<vmem>>) dst(%dma_wait3A_45 : memref<128x128xf32, #tpu.memory_space<vmem_shared>>)
      tpu.yield
    }) : () -> ()
    %mul3A_12 = arith.constant 640 : i32
    %mul3A_13 = arith.muli %arg1, %mul3A_12 : i32
    %add3A_14 = arith.constant 128 : i32
    %add3A_15 = arith.addi %mul3A_13, %add3A_14 : i32
    "tpu.region"() ({
      %run_scoped3A = tpu.sem_alloc : memref<!tpu.dma_semaphore, #tpu.memory_space<semaphore_mem>>
      %dma_start3A = arith.constant 0 : i32
      %dma_start3A_40 = tpu.memref_slice %arg11[%add3A_15, %dma_start3A] : memref<10240x128xf32, #tpu.memory_space<vmem_shared>> -> memref<128x128xf32, #tpu.memory_space<vmem_shared>>
      %dma_start3A_41 = arith.constant 0 : i32
      %dma_start3A_42 = tpu.memref_slice %arg11[%add3A_15, %dma_start3A_41] : memref<10240x128xf32, #tpu.memory_space<vmem_shared>> -> memref<128x128xf32, #tpu.memory_space<vmem_shared>>
      tpu.enqueue_dma source(%arg10 : memref<128x128xf32, #tpu.memory_space<vmem>>) target(%dma_start3A_42 : memref<128x128xf32, #tpu.memory_space<vmem_shared>>) target_semaphore(%run_scoped3A : memref<!tpu.dma_semaphore, #tpu.memory_space<semaphore_mem>>)
      %dma_wait3A = arith.constant 0 : i32
      %dma_wait3A_43 = tpu.memref_slice %arg11[%add3A_15, %dma_wait3A] : memref<10240x128xf32, #tpu.memory_space<vmem_shared>> -> memref<128x128xf32, #tpu.memory_space<vmem_shared>>
      %dma_wait3A_44 = arith.constant 0 : i32
      %dma_wait3A_45 = tpu.memref_slice %arg11[%add3A_15, %dma_wait3A_44] : memref<10240x128xf32, #tpu.memory_space<vmem_shared>> -> memref<128x128xf32, #tpu.memory_space<vmem_shared>>
      tpu.wait_dma2 semaphore(%run_scoped3A : memref<!tpu.dma_semaphore, #tpu.memory_space<semaphore_mem>>) src(%arg10 : memref<128x128xf32, #tpu.memory_space<vmem>>) dst(%dma_wait3A_45 : memref<128x128xf32, #tpu.memory_space<vmem_shared>>)
      tpu.yield
    }) : () -> ()
    %mul3A_16 = arith.constant 640 : i32
    %mul3A_17 = arith.muli %arg1, %mul3A_16 : i32
    %add3A_18 = arith.constant 256 : i32
    %add3A_19 = arith.addi %mul3A_17, %add3A_18 : i32
    "tpu.region"() ({
      %run_scoped3A = tpu.sem_alloc : memref<!tpu.dma_semaphore, #tpu.memory_space<semaphore_mem>>
      %dma_start3A = arith.constant 0 : i32
      %dma_start3A_40 = tpu.memref_slice %arg11[%add3A_19, %dma_start3A] : memref<10240x128xf32, #tpu.memory_space<vmem_shared>> -> memref<128x128xf32, #tpu.memory_space<vmem_shared>>
      %dma_start3A_41 = arith.constant 0 : i32
      %dma_start3A_42 = tpu.memref_slice %arg11[%add3A_19, %dma_start3A_41] : memref<10240x128xf32, #tpu.memory_space<vmem_shared>> -> memref<128x128xf32, #tpu.memory_space<vmem_shared>>
      tpu.enqueue_dma source(%arg10 : memref<128x128xf32, #tpu.memory_space<vmem>>) target(%dma_start3A_42 : memref<128x128xf32, #tpu.memory_space<vmem_shared>>) target_semaphore(%run_scoped3A : memref<!tpu.dma_semaphore, #tpu.memory_space<semaphore_mem>>)
      %dma_wait3A = arith.constant 0 : i32
      %dma_wait3A_43 = tpu.memref_slice %arg11[%add3A_19, %dma_wait3A] : memref<10240x128xf32, #tpu.memory_space<vmem_shared>> -> memref<128x128xf32, #tpu.memory_space<vmem_shared>>
      %dma_wait3A_44 = arith.constant 0 : i32
      %dma_wait3A_45 = tpu.memref_slice %arg11[%add3A_19, %dma_wait3A_44] : memref<10240x128xf32, #tpu.memory_space<vmem_shared>> -> memref<128x128xf32, #tpu.memory_space<vmem_shared>>
      tpu.wait_dma2 semaphore(%run_scoped3A : memref<!tpu.dma_semaphore, #tpu.memory_space<semaphore_mem>>) src(%arg10 : memref<128x128xf32, #tpu.memory_space<vmem>>) dst(%dma_wait3A_45 : memref<128x128xf32, #tpu.memory_space<vmem_shared>>)
      tpu.yield
    }) : () -> ()
    %mul3A_20 = arith.constant 640 : i32
    %mul3A_21 = arith.muli %arg1, %mul3A_20 : i32
    %add3A_22 = arith.constant 384 : i32
    %add3A_23 = arith.addi %mul3A_21, %add3A_22 : i32
    "tpu.region"() ({
      %run_scoped3A = tpu.sem_alloc : memref<!tpu.dma_semaphore, #tpu.memory_space<semaphore_mem>>
      %dma_start3A = arith.constant 0 : i32
      %dma_start3A_40 = tpu.memref_slice %arg11[%add3A_23, %dma_start3A] : memref<10240x128xf32, #tpu.memory_space<vmem_shared>> -> memref<128x128xf32, #tpu.memory_space<vmem_shared>>
      %dma_start3A_41 = arith.constant 0 : i32
      %dma_start3A_42 = tpu.memref_slice %arg11[%add3A_23, %dma_start3A_41] : memref<10240x128xf32, #tpu.memory_space<vmem_shared>> -> memref<128x128xf32, #tpu.memory_space<vmem_shared>>
      tpu.enqueue_dma source(%arg10 : memref<128x128xf32, #tpu.memory_space<vmem>>) target(%dma_start3A_42 : memref<128x128xf32, #tpu.memory_space<vmem_shared>>) target_semaphore(%run_scoped3A : memref<!tpu.dma_semaphore, #tpu.memory_space<semaphore_mem>>)
      %dma_wait3A = arith.constant 0 : i32
      %dma_wait3A_43 = tpu.memref_slice %arg11[%add3A_23, %dma_wait3A] : memref<10240x128xf32, #tpu.memory_space<vmem_shared>> -> memref<128x128xf32, #tpu.memory_space<vmem_shared>>
      %dma_wait3A_44 = arith.constant 0 : i32
      %dma_wait3A_45 = tpu.memref_slice %arg11[%add3A_23, %dma_wait3A_44] : memref<10240x128xf32, #tpu.memory_space<vmem_shared>> -> memref<128x128xf32, #tpu.memory_space<vmem_shared>>
      tpu.wait_dma2 semaphore(%run_scoped3A : memref<!tpu.dma_semaphore, #tpu.memory_space<semaphore_mem>>) src(%arg10 : memref<128x128xf32, #tpu.memory_space<vmem>>) dst(%dma_wait3A_45 : memref<128x128xf32, #tpu.memory_space<vmem_shared>>)
      tpu.yield
    }) : () -> ()
    %mul3A_24 = arith.constant 640 : i32
    %mul3A_25 = arith.muli %arg1, %mul3A_24 : i32
    %add3A_26 = arith.constant 512 : i32
    %add3A_27 = arith.addi %mul3A_25, %add3A_26 : i32
    "tpu.region"() ({
      %run_scoped3A = tpu.sem_alloc : memref<!tpu.dma_semaphore, #tpu.memory_space<semaphore_mem>>
      %dma_start3A = arith.constant 0 : i32
      %dma_start3A_40 = tpu.memref_slice %arg11[%add3A_27, %dma_start3A] : memref<10240x128xf32, #tpu.memory_space<vmem_shared>> -> memref<128x128xf32, #tpu.memory_space<vmem_shared>>
      %dma_start3A_41 = arith.constant 0 : i32
      %dma_start3A_42 = tpu.memref_slice %arg11[%add3A_27, %dma_start3A_41] : memref<10240x128xf32, #tpu.memory_space<vmem_shared>> -> memref<128x128xf32, #tpu.memory_space<vmem_shared>>
      tpu.enqueue_dma source(%arg10 : memref<128x128xf32, #tpu.memory_space<vmem>>) target(%dma_start3A_42 : memref<128x128xf32, #tpu.memory_space<vmem_shared>>) target_semaphore(%run_scoped3A : memref<!tpu.dma_semaphore, #tpu.memory_space<semaphore_mem>>)
      %dma_wait3A = arith.constant 0 : i32
      %dma_wait3A_43 = tpu.memref_slice %arg11[%add3A_27, %dma_wait3A] : memref<10240x128xf32, #tpu.memory_space<vmem_shared>> -> memref<128x128xf32, #tpu.memory_space<vmem_shared>>
      %dma_wait3A_44 = arith.constant 0 : i32
      %dma_wait3A_45 = tpu.memref_slice %arg11[%add3A_27, %dma_wait3A_44] : memref<10240x128xf32, #tpu.memory_space<vmem_shared>> -> memref<128x128xf32, #tpu.memory_space<vmem_shared>>
      tpu.wait_dma2 semaphore(%run_scoped3A : memref<!tpu.dma_semaphore, #tpu.memory_space<semaphore_mem>>) src(%arg10 : memref<128x128xf32, #tpu.memory_space<vmem>>) dst(%dma_wait3A_45 : memref<128x128xf32, #tpu.memory_space<vmem_shared>>)
      tpu.yield
    }) : () -> ()
    "tpu.region"() ({
      %run_scoped3A = tpu.sem_alloc : memref<!tpu.dma_semaphore, #tpu.memory_space<semaphore_mem>>
      %dma_start3A = arith.constant 0 : i32
      %dma_start3A_40 = arith.constant 0 : i32
      %dma_start3A_41 = tpu.memref_slice %arg3[%add3A, %dma_start3A, %dma_start3A_40] : memref<32x79x128xi32, #tpu.memory_space<hbm>> -> memref<1x79x128xi32, #tpu.memory_space<hbm>>
      %dma_start3A_42 = tpu.memref_squeeze %dma_start3A_41 : memref<1x79x128xi32, #tpu.memory_space<hbm>> -> memref<79x128xi32, #tpu.memory_space<hbm>>
      %dma_start3A_43 = arith.constant 0 : i32
      %dma_start3A_44 = arith.constant 0 : i32
      %dma_start3A_45 = tpu.memref_slice %arg3[%add3A, %dma_start3A_43, %dma_start3A_44] : memref<32x79x128xi32, #tpu.memory_space<hbm>> -> memref<1x79x128xi32, #tpu.memory_space<hbm>>
      %dma_start3A_46 = tpu.memref_squeeze %dma_start3A_45 : memref<1x79x128xi32, #tpu.memory_space<hbm>> -> memref<79x128xi32, #tpu.memory_space<hbm>>
      tpu.enqueue_dma source(%dma_start3A_46 : memref<79x128xi32, #tpu.memory_space<hbm>>) target(%arg7 : memref<79x128xi32, #tpu.memory_space<vmem>>) target_semaphore(%run_scoped3A : memref<!tpu.dma_semaphore, #tpu.memory_space<semaphore_mem>>)
      %dma_wait3A = arith.constant 0 : i32
      %dma_wait3A_47 = arith.constant 0 : i32
      %dma_wait3A_48 = tpu.memref_slice %arg3[%add3A, %dma_wait3A, %dma_wait3A_47] : memref<32x79x128xi32, #tpu.memory_space<hbm>> -> memref<1x79x128xi32, #tpu.memory_space<hbm>>
      %dma_wait3A_49 = tpu.memref_squeeze %dma_wait3A_48 : memref<1x79x128xi32, #tpu.memory_space<hbm>> -> memref<79x128xi32, #tpu.memory_space<hbm>>
      %dma_wait3A_50 = arith.constant 0 : i32
      %dma_wait3A_51 = arith.constant 0 : i32
      %dma_wait3A_52 = tpu.memref_slice %arg3[%add3A, %dma_wait3A_50, %dma_wait3A_51] : memref<32x79x128xi32, #tpu.memory_space<hbm>> -> memref<1x79x128xi32, #tpu.memory_space<hbm>>
      %dma_wait3A_53 = tpu.memref_squeeze %dma_wait3A_52 : memref<1x79x128xi32, #tpu.memory_space<hbm>> -> memref<79x128xi32, #tpu.memory_space<hbm>>
      tpu.wait_dma2 semaphore(%run_scoped3A : memref<!tpu.dma_semaphore, #tpu.memory_space<semaphore_mem>>) src(%dma_wait3A_53 : memref<79x128xi32, #tpu.memory_space<hbm>>) dst(%arg7 : memref<79x128xi32, #tpu.memory_space<vmem>>)
      tpu.yield
    }) : () -> ()
    "tpu.region"() ({
      %run_scoped3A = tpu.sem_alloc : memref<!tpu.dma_semaphore, #tpu.memory_space<semaphore_mem>>
      %dma_start3A = arith.constant 0 : i32
      %dma_start3A_40 = arith.constant 0 : i32
      %dma_start3A_41 = tpu.memref_slice %arg4[%add3A, %dma_start3A, %dma_start3A_40] : memref<32x79x128xi32, #tpu.memory_space<hbm>> -> memref<1x79x128xi32, #tpu.memory_space<hbm>>
      %dma_start3A_42 = tpu.memref_squeeze %dma_start3A_41 : memref<1x79x128xi32, #tpu.memory_space<hbm>> -> memref<79x128xi32, #tpu.memory_space<hbm>>
      %dma_start3A_43 = arith.constant 0 : i32
      %dma_start3A_44 = arith.constant 0 : i32
      %dma_start3A_45 = tpu.memref_slice %arg4[%add3A, %dma_start3A_43, %dma_start3A_44] : memref<32x79x128xi32, #tpu.memory_space<hbm>> -> memref<1x79x128xi32, #tpu.memory_space<hbm>>
      %dma_start3A_46 = tpu.memref_squeeze %dma_start3A_45 : memref<1x79x128xi32, #tpu.memory_space<hbm>> -> memref<79x128xi32, #tpu.memory_space<hbm>>
      tpu.enqueue_dma source(%dma_start3A_46 : memref<79x128xi32, #tpu.memory_space<hbm>>) target(%arg8 : memref<79x128xi32, #tpu.memory_space<vmem>>) target_semaphore(%run_scoped3A : memref<!tpu.dma_semaphore, #tpu.memory_space<semaphore_mem>>)
      %dma_wait3A = arith.constant 0 : i32
      %dma_wait3A_47 = arith.constant 0 : i32
      %dma_wait3A_48 = tpu.memref_slice %arg4[%add3A, %dma_wait3A, %dma_wait3A_47] : memref<32x79x128xi32, #tpu.memory_space<hbm>> -> memref<1x79x128xi32, #tpu.memory_space<hbm>>
      %dma_wait3A_49 = tpu.memref_squeeze %dma_wait3A_48 : memref<1x79x128xi32, #tpu.memory_space<hbm>> -> memref<79x128xi32, #tpu.memory_space<hbm>>
      %dma_wait3A_50 = arith.constant 0 : i32
      %dma_wait3A_51 = arith.constant 0 : i32
      %dma_wait3A_52 = tpu.memref_slice %arg4[%add3A, %dma_wait3A_50, %dma_wait3A_51] : memref<32x79x128xi32, #tpu.memory_space<hbm>> -> memref<1x79x128xi32, #tpu.memory_space<hbm>>
      %dma_wait3A_53 = tpu.memref_squeeze %dma_wait3A_52 : memref<1x79x128xi32, #tpu.memory_space<hbm>> -> memref<79x128xi32, #tpu.memory_space<hbm>>
      tpu.wait_dma2 semaphore(%run_scoped3A : memref<!tpu.dma_semaphore, #tpu.memory_space<semaphore_mem>>) src(%dma_wait3A_53 : memref<79x128xi32, #tpu.memory_space<hbm>>) dst(%arg8 : memref<79x128xi32, #tpu.memory_space<vmem>>)
      tpu.yield
    }) : () -> ()
    "tpu.region"() ({
      %run_scoped3A = tpu.sem_alloc : memref<!tpu.dma_semaphore, #tpu.memory_space<semaphore_mem>>
      %dma_start3A = arith.constant 0 : i32
      %dma_start3A_40 = arith.constant 0 : i32
      %dma_start3A_41 = tpu.memref_slice %arg5[%add3A, %dma_start3A, %dma_start3A_40] : memref<32x79x128xf32, #tpu.memory_space<hbm>> -> memref<1x79x128xf32, #tpu.memory_space<hbm>>
      %dma_start3A_42 = tpu.memref_squeeze %dma_start3A_41 : memref<1x79x128xf32, #tpu.memory_space<hbm>> -> memref<79x128xf32, #tpu.memory_space<hbm>>
      %dma_start3A_43 = arith.constant 0 : i32
      %dma_start3A_44 = arith.constant 0 : i32
      %dma_start3A_45 = tpu.memref_slice %arg5[%add3A, %dma_start3A_43, %dma_start3A_44] : memref<32x79x128xf32, #tpu.memory_space<hbm>> -> memref<1x79x128xf32, #tpu.memory_space<hbm>>
      %dma_start3A_46 = tpu.memref_squeeze %dma_start3A_45 : memref<1x79x128xf32, #tpu.memory_space<hbm>> -> memref<79x128xf32, #tpu.memory_space<hbm>>
      tpu.enqueue_dma source(%dma_start3A_46 : memref<79x128xf32, #tpu.memory_space<hbm>>) target(%arg9 : memref<79x128xf32, #tpu.memory_space<vmem>>) target_semaphore(%run_scoped3A : memref<!tpu.dma_semaphore, #tpu.memory_space<semaphore_mem>>)
      %dma_wait3A = arith.constant 0 : i32
      %dma_wait3A_47 = arith.constant 0 : i32
      %dma_wait3A_48 = tpu.memref_slice %arg5[%add3A, %dma_wait3A, %dma_wait3A_47] : memref<32x79x128xf32, #tpu.memory_space<hbm>> -> memref<1x79x128xf32, #tpu.memory_space<hbm>>
      %dma_wait3A_49 = tpu.memref_squeeze %dma_wait3A_48 : memref<1x79x128xf32, #tpu.memory_space<hbm>> -> memref<79x128xf32, #tpu.memory_space<hbm>>
      %dma_wait3A_50 = arith.constant 0 : i32
      %dma_wait3A_51 = arith.constant 0 : i32
      %dma_wait3A_52 = tpu.memref_slice %arg5[%add3A, %dma_wait3A_50, %dma_wait3A_51] : memref<32x79x128xf32, #tpu.memory_space<hbm>> -> memref<1x79x128xf32, #tpu.memory_space<hbm>>
      %dma_wait3A_53 = tpu.memref_squeeze %dma_wait3A_52 : memref<1x79x128xf32, #tpu.memory_space<hbm>> -> memref<79x128xf32, #tpu.memory_space<hbm>>
      tpu.wait_dma2 semaphore(%run_scoped3A : memref<!tpu.dma_semaphore, #tpu.memory_space<semaphore_mem>>) src(%dma_wait3A_53 : memref<79x128xf32, #tpu.memory_space<hbm>>) dst(%arg9 : memref<79x128xf32, #tpu.memory_space<vmem>>)
      tpu.yield
    }) : () -> ()
    %barrier3A = arith.constant 0 : index
    tpu.barrier barrier_id(%barrier3A)
    %scan3A_28 = arith.constant 0 : i32
    %scan3A_29 = arith.constant 0 : i32
    %scan3A_30 = arith.constant 79 : i32
    %scan3A_31 = arith.addi %scan3A_29, %scan3A_30 : i32
    %scan3A_32 = arith.constant 1 : i32
    %scan3A_33 = scf.for %scan3A_40 = %scan3A_29 to %scan3A_31 step %scan3A_32 iter_args(%scan3A_41 = %scan3A_28) -> (i32)  : i32 {
      %dma_start3A = arith.constant 0 : i32
      %dma_start3A_42 = tpu.memref_slice %arg7[%scan3A_40, %dma_start3A] : memref<79x128xi32, #tpu.memory_space<vmem>> -> memref<1x128xi32, #tpu.memory_space<vmem>>
      %dma_start3A_43 = tpu.memref_squeeze %dma_start3A_42 : memref<1x128xi32, #tpu.memory_space<vmem>> -> memref<128xi32, #tpu.memory_space<vmem>>
      %dma_start3A_44 = arith.constant 0 : i32
      %dma_start3A_45 = arith.constant 0 : i32
      %dma_start3A_46 = tpu.memref_slice %arg2[%dma_start3A_44, %dma_start3A_45] : memref<10000x128xf32, #tpu.memory_space<hbm>> -> memref<10000x128xf32, #tpu.memory_space<hbm>>
      tpu.enqueue_indirect_dma source(%dma_start3A_46 : memref<10000x128xf32, #tpu.memory_space<hbm>>) target(%arg10 : memref<128x128xf32, #tpu.memory_space<vmem>>) offsets(%dma_start3A_43 : memref<128xi32, #tpu.memory_space<vmem>>) semaphore(%arg12 : memref<!tpu.dma_semaphore, #tpu.memory_space<semaphore_mem>>)
      %dma_wait3A = arith.constant 0 : i32
      %dma_wait3A_47 = tpu.memref_slice %arg7[%scan3A_40, %dma_wait3A] : memref<79x128xi32, #tpu.memory_space<vmem>> -> memref<1x128xi32, #tpu.memory_space<vmem>>
      %dma_wait3A_48 = tpu.memref_squeeze %dma_wait3A_47 : memref<1x128xi32, #tpu.memory_space<vmem>> -> memref<128xi32, #tpu.memory_space<vmem>>
      %dma_wait3A_49 = arith.constant 0 : i32
      %dma_wait3A_50 = arith.constant 0 : i32
      %dma_wait3A_51 = tpu.memref_slice %arg2[%dma_wait3A_49, %dma_wait3A_50] : memref<10000x128xf32, #tpu.memory_space<hbm>> -> memref<10000x128xf32, #tpu.memory_space<hbm>>
      tpu.wait_indirect_dma semaphore(%arg12 : memref<!tpu.dma_semaphore, #tpu.memory_space<semaphore_mem>>) src(%dma_wait3A_51 : memref<10000x128xf32, #tpu.memory_space<hbm>>) dst(%arg10 : memref<128x128xf32, #tpu.memory_space<vmem>>)
      %scan3A_52 = arith.constant 0 : i32
      %scan3A_53 = arith.constant 0 : i32
      %scan3A_54 = arith.constant 128 : i32
      %scan3A_55 = arith.addi %scan3A_53, %scan3A_54 : i32
      %scan3A_56 = arith.constant 1 : i32
      %scan3A_57 = scf.for %scan3A_60 = %scan3A_53 to %scan3A_55 step %scan3A_56 iter_args(%scan3A_61 = %scan3A_52) -> (i32)  : i32 {
        %shift_right_logical3A = arith.constant 4 : i32
        %shift_right_logical3A_62 = arith.shrui %scan3A_60, %shift_right_logical3A : i32
        %mul3A_63 = arith.constant 16 : i32
        %mul3A_64 = arith.muli %shift_right_logical3A_62, %mul3A_63 : i32
        %get3A = arith.index_cast %scan3A_40 : i32 to index
        %get3A_65 = arith.index_cast %mul3A_64 : i32 to index
        %get3A_66 = tpu.vector_load %arg9[%get3A, %get3A_65] {strides = array<i32>} : memref<79x128xf32, #tpu.memory_space<vmem>>, vector<1x16xf32>,
        %get3A_67 = vector.shape_cast %get3A_66 : vector<1x16xf32> to vector<16xf32>
        %and3A = arith.constant 15 : i32
        %and3A_68 = arith.andi %scan3A_60, %and3A : i32
        %broadcast_in_dim3A_69 = vector.broadcast %and3A_68 : i32 to vector<16x1xi32>
        %gather3A = vector.shape_cast %broadcast_in_dim3A_69 : vector<16x1xi32> to vector<16xi32>
        %gather3A_70 = tpu.dynamic_gather %get3A_67[%gather3A] in [0] : vector<16xf32>, vector<16xi32> -> vector<16xf32>
        %get3A_71 = arith.index_cast %scan3A_60 : i32 to index
        %get3A_72 = arith.constant 0 : index
        %get3A_73 = tpu.vector_load %arg10[%get3A_71, %get3A_72] {strides = array<i32>} : memref<128x128xf32, #tpu.memory_space<vmem>>, vector<1x16xf32>,
        %get3A_74 = vector.shape_cast %get3A_73 : vector<1x16xf32> to vector<16xf32>
        %mul3A_75 = arith.mulf %get3A_74, %gather3A_70 : vector<16xf32>
        %swap3A = arith.index_cast %scan3A_60 : i32 to index
        %swap3A_76 = arith.constant 0 : index
        %swap3A_77 = tpu.vector_load %arg10[%swap3A, %swap3A_76] {strides = array<i32>} : memref<128x128xf32, #tpu.memory_space<vmem>>, vector<1x16xf32>,
        %swap3A_78 = vector.shape_cast %swap3A_77 : vector<1x16xf32> to vector<16xf32>
        %swap3A_79 = vector.shape_cast %mul3A_75 : vector<16xf32> to vector<1x16xf32>
        tpu.vector_store %arg10[%swap3A, %swap3A_76], %swap3A_79 {strides = array<i32>} : memref<128x128xf32, #tpu.memory_space<vmem>>, vector<1x16xf32>,
        %get3A_80 = arith.index_cast %scan3A_60 : i32 to index
        %get3A_81 = arith.constant 16 : index
        %get3A_82 = tpu.vector_load %arg10[%get3A_80, %get3A_81] {strides = array<i32>} : memref<128x128xf32, #tpu.memory_space<vmem>>, vector<1x16xf32>,
        %get3A_83 = vector.shape_cast %get3A_82 : vector<1x16xf32> to vector<16xf32>
        %mul3A_84 = arith.mulf %get3A_83, %gather3A_70 : vector<16xf32>
        %swap3A_85 = arith.index_cast %scan3A_60 : i32 to index
        %swap3A_86 = arith.constant 16 : index
        %swap3A_87 = tpu.vector_load %arg10[%swap3A_85, %swap3A_86] {strides = array<i32>} : memref<128x128xf32, #tpu.memory_space<vmem>>, vector<1x16xf32>,
        %swap3A_88 = vector.shape_cast %swap3A_87 : vector<1x16xf32> to vector<16xf32>
        %swap3A_89 = vector.shape_cast %mul3A_84 : vector<16xf32> to vector<1x16xf32>
        tpu.vector_store %arg10[%swap3A_85, %swap3A_86], %swap3A_89 {strides = array<i32>} : memref<128x128xf32, #tpu.memory_space<vmem>>, vector<1x16xf32>,
        %get3A_90 = arith.index_cast %scan3A_60 : i32 to index
        %get3A_91 = arith.constant 32 : index
        %get3A_92 = tpu.vector_load %arg10[%get3A_90, %get3A_91] {strides = array<i32>} : memref<128x128xf32, #tpu.memory_space<vmem>>, vector<1x16xf32>,
        %get3A_93 = vector.shape_cast %get3A_92 : vector<1x16xf32> to vector<16xf32>
        %mul3A_94 = arith.mulf %get3A_93, %gather3A_70 : vector<16xf32>
        %swap3A_95 = arith.index_cast %scan3A_60 : i32 to index
        %swap3A_96 = arith.constant 32 : index
        %swap3A_97 = tpu.vector_load %arg10[%swap3A_95, %swap3A_96] {strides = array<i32>} : memref<128x128xf32, #tpu.memory_space<vmem>>, vector<1x16xf32>,
        %swap3A_98 = vector.shape_cast %swap3A_97 : vector<1x16xf32> to vector<16xf32>
        %swap3A_99 = vector.shape_cast %mul3A_94 : vector<16xf32> to vector<1x16xf32>
        tpu.vector_store %arg10[%swap3A_95, %swap3A_96], %swap3A_99 {strides = array<i32>} : memref<128x128xf32, #tpu.memory_space<vmem>>, vector<1x16xf32>,
        %get3A_100 = arith.index_cast %scan3A_60 : i32 to index
        %get3A_101 = arith.constant 48 : index
        %get3A_102 = tpu.vector_load %arg10[%get3A_100, %get3A_101] {strides = array<i32>} : memref<128x128xf32, #tpu.memory_space<vmem>>, vector<1x16xf32>,
        %get3A_103 = vector.shape_cast %get3A_102 : vector<1x16xf32> to vector<16xf32>
        %mul3A_104 = arith.mulf %get3A_103, %gather3A_70 : vector<16xf32>
        %swap3A_105 = arith.index_cast %scan3A_60 : i32 to index
        %swap3A_106 = arith.constant 48 : index
        %swap3A_107 = tpu.vector_load %arg10[%swap3A_105, %swap3A_106] {strides = array<i32>} : memref<128x128xf32, #tpu.memory_space<vmem>>, vector<1x16xf32>,
        %swap3A_108 = vector.shape_cast %swap3A_107 : vector<1x16xf32> to vector<16xf32>
        %swap3A_109 = vector.shape_cast %mul3A_104 : vector<16xf32> to vector<1x16xf32>
        tpu.vector_store %arg10[%swap3A_105, %swap3A_106], %swap3A_109 {strides = array<i32>} : memref<128x128xf32, #tpu.memory_space<vmem>>, vector<1x16xf32>,
        %get3A_110 = arith.index_cast %scan3A_60 : i32 to index
        %get3A_111 = arith.constant 64 : index
        %get3A_112 = tpu.vector_load %arg10[%get3A_110, %get3A_111] {strides = array<i32>} : memref<128x128xf32, #tpu.memory_space<vmem>>, vector<1x16xf32>,
        %get3A_113 = vector.shape_cast %get3A_112 : vector<1x16xf32> to vector<16xf32>
        %mul3A_114 = arith.mulf %get3A_113, %gather3A_70 : vector<16xf32>
        %swap3A_115 = arith.index_cast %scan3A_60 : i32 to index
        %swap3A_116 = arith.constant 64 : index
        %swap3A_117 = tpu.vector_load %arg10[%swap3A_115, %swap3A_116] {strides = array<i32>} : memref<128x128xf32, #tpu.memory_space<vmem>>, vector<1x16xf32>,
        %swap3A_118 = vector.shape_cast %swap3A_117 : vector<1x16xf32> to vector<16xf32>
        %swap3A_119 = vector.shape_cast %mul3A_114 : vector<16xf32> to vector<1x16xf32>
        tpu.vector_store %arg10[%swap3A_115, %swap3A_116], %swap3A_119 {strides = array<i32>} : memref<128x128xf32, #tpu.memory_space<vmem>>, vector<1x16xf32>,
        %get3A_120 = arith.index_cast %scan3A_60 : i32 to index
        %get3A_121 = arith.constant 80 : index
        %get3A_122 = tpu.vector_load %arg10[%get3A_120, %get3A_121] {strides = array<i32>} : memref<128x128xf32, #tpu.memory_space<vmem>>, vector<1x16xf32>,
        %get3A_123 = vector.shape_cast %get3A_122 : vector<1x16xf32> to vector<16xf32>
        %mul3A_124 = arith.mulf %get3A_123, %gather3A_70 : vector<16xf32>
        %swap3A_125 = arith.index_cast %scan3A_60 : i32 to index
        %swap3A_126 = arith.constant 80 : index
        %swap3A_127 = tpu.vector_load %arg10[%swap3A_125, %swap3A_126] {strides = array<i32>} : memref<128x128xf32, #tpu.memory_space<vmem>>, vector<1x16xf32>,
        %swap3A_128 = vector.shape_cast %swap3A_127 : vector<1x16xf32> to vector<16xf32>
        %swap3A_129 = vector.shape_cast %mul3A_124 : vector<16xf32> to vector<1x16xf32>
        tpu.vector_store %arg10[%swap3A_125, %swap3A_126], %swap3A_129 {strides = array<i32>} : memref<128x128xf32, #tpu.memory_space<vmem>>, vector<1x16xf32>,
        %get3A_130 = arith.index_cast %scan3A_60 : i32 to index
        %get3A_131 = arith.constant 96 : index
        %get3A_132 = tpu.vector_load %arg10[%get3A_130, %get3A_131] {strides = array<i32>} : memref<128x128xf32, #tpu.memory_space<vmem>>, vector<1x16xf32>,
        %get3A_133 = vector.shape_cast %get3A_132 : vector<1x16xf32> to vector<16xf32>
        %mul3A_134 = arith.mulf %get3A_133, %gather3A_70 : vector<16xf32>
        %swap3A_135 = arith.index_cast %scan3A_60 : i32 to index
        %swap3A_136 = arith.constant 96 : index
        %swap3A_137 = tpu.vector_load %arg10[%swap3A_135, %swap3A_136] {strides = array<i32>} : memref<128x128xf32, #tpu.memory_space<vmem>>, vector<1x16xf32>,
        %swap3A_138 = vector.shape_cast %swap3A_137 : vector<1x16xf32> to vector<16xf32>
        %swap3A_139 = vector.shape_cast %mul3A_134 : vector<16xf32> to vector<1x16xf32>
        tpu.vector_store %arg10[%swap3A_135, %swap3A_136], %swap3A_139 {strides = array<i32>} : memref<128x128xf32, #tpu.memory_space<vmem>>, vector<1x16xf32>,
        %get3A_140 = arith.index_cast %scan3A_60 : i32 to index
        %get3A_141 = arith.constant 112 : index
        %get3A_142 = tpu.vector_load %arg10[%get3A_140, %get3A_141] {strides = array<i32>} : memref<128x128xf32, #tpu.memory_space<vmem>>, vector<1x16xf32>,
        %get3A_143 = vector.shape_cast %get3A_142 : vector<1x16xf32> to vector<16xf32>
        %mul3A_144 = arith.mulf %get3A_143, %gather3A_70 : vector<16xf32>
        %swap3A_145 = arith.index_cast %scan3A_60 : i32 to index
        %swap3A_146 = arith.constant 112 : index
        %swap3A_147 = tpu.vector_load %arg10[%swap3A_145, %swap3A_146] {strides = array<i32>} : memref<128x128xf32, #tpu.memory_space<vmem>>, vector<1x16xf32>,
        %swap3A_148 = vector.shape_cast %swap3A_147 : vector<1x16xf32> to vector<16xf32>
        %swap3A_149 = vector.shape_cast %mul3A_144 : vector<16xf32> to vector<1x16xf32>
        tpu.vector_store %arg10[%swap3A_145, %swap3A_146], %swap3A_149 {strides = array<i32>} : memref<128x128xf32, #tpu.memory_space<vmem>>, vector<1x16xf32>,
        %scan3A_150 = arith.constant 0 : i32
        scf.yield %scan3A_150 : i32
      }
      %scan3A_58 = arith.constant 128 : i32
      "tpu.region"() ({
        %run_scoped3A = tpu.sem_alloc : memref<!tpu.dma_semaphore, #tpu.memory_space<semaphore_mem>>
        %dma_start3A_60 = arith.constant 0 : i32
        %dma_start3A_61 = tpu.memref_slice %arg8[%scan3A_40, %dma_start3A_60] : memref<79x128xi32, #tpu.memory_space<vmem>> -> memref<1x128xi32, #tpu.memory_space<vmem>>
        %dma_start3A_62 = tpu.memref_squeeze %dma_start3A_61 : memref<1x128xi32, #tpu.memory_space<vmem>> -> memref<128xi32, #tpu.memory_space<vmem>>
        %dma_start3A_63 = arith.constant 0 : i32
        %dma_start3A_64 = arith.constant 0 : i32
        %dma_start3A_65 = tpu.memref_slice %arg11[%dma_start3A_63, %dma_start3A_64] : memref<10240x128xf32, #tpu.memory_space<vmem_shared>> -> memref<10240x128xf32, #tpu.memory_space<vmem_shared>>
        tpu.enqueue_indirect_dma source(%arg10 : memref<128x128xf32, #tpu.memory_space<vmem>>) target(%dma_start3A_65 : memref<10240x128xf32, #tpu.memory_space<vmem_shared>>) offsets(%dma_start3A_62 : memref<128xi32, #tpu.memory_space<vmem>>) semaphore(%run_scoped3A : memref<!tpu.dma_semaphore, #tpu.memory_space<semaphore_mem>>) {add = true}
        %dma_wait3A_66 = arith.constant 0 : i32
        %dma_wait3A_67 = tpu.memref_slice %arg8[%scan3A_40, %dma_wait3A_66] : memref<79x128xi32, #tpu.memory_space<vmem>> -> memref<1x128xi32, #tpu.memory_space<vmem>>
        %dma_wait3A_68 = tpu.memref_squeeze %dma_wait3A_67 : memref<1x128xi32, #tpu.memory_space<vmem>> -> memref<128xi32, #tpu.memory_space<vmem>>
        %dma_wait3A_69 = arith.constant 0 : i32
        %dma_wait3A_70 = arith.constant 0 : i32
        %dma_wait3A_71 = tpu.memref_slice %arg11[%dma_wait3A_69, %dma_wait3A_70] : memref<10240x128xf32, #tpu.memory_space<vmem_shared>> -> memref<10240x128xf32, #tpu.memory_space<vmem_shared>>
        tpu.wait_indirect_dma semaphore(%run_scoped3A : memref<!tpu.dma_semaphore, #tpu.memory_space<semaphore_mem>>) src(%arg10 : memref<128x128xf32, #tpu.memory_space<vmem>>) dst(%dma_wait3A_71 : memref<10240x128xf32, #tpu.memory_space<vmem_shared>>)
        tpu.yield
      }) : () -> ()
      %scan3A_59 = arith.constant 0 : i32
      scf.yield %scan3A_59 : i32
    }
    %scan3A_34 = arith.constant 79 : i32
    %barrier3A_35 = arith.constant 0 : index
    tpu.barrier barrier_id(%barrier3A_35)
    %mul3A_36 = arith.constant 640 : i32
    %mul3A_37 = arith.muli %arg1, %mul3A_36 : i32
    %mul3A_38 = arith.constant 640 : i32
    %mul3A_39 = arith.muli %arg1, %mul3A_38 : i32
    "tpu.region"() ({
      %run_scoped3A = tpu.sem_alloc : memref<!tpu.dma_semaphore, #tpu.memory_space<semaphore_mem>>
      %dma_start3A = arith.constant 0 : i32
      %dma_start3A_40 = tpu.memref_slice %arg6[%arg0, %mul3A_39, %dma_start3A] : memref<2x10240x128xf32, #tpu.memory_space<hbm>> -> memref<1x640x128xf32, #tpu.memory_space<hbm>>
      %dma_start3A_41 = tpu.memref_squeeze %dma_start3A_40 : memref<1x640x128xf32, #tpu.memory_space<hbm>> -> memref<640x128xf32, #tpu.memory_space<hbm>>
      %dma_start3A_42 = arith.constant 0 : i32
      %dma_start3A_43 = tpu.memref_slice %arg11[%mul3A_37, %dma_start3A_42] : memref<10240x128xf32, #tpu.memory_space<vmem_shared>> -> memref<640x128xf32, #tpu.memory_space<vmem_shared>>
      tpu.enqueue_dma source(%dma_start3A_43 : memref<640x128xf32, #tpu.memory_space<vmem_shared>>) target(%dma_start3A_41 : memref<640x128xf32, #tpu.memory_space<hbm>>) target_semaphore(%run_scoped3A : memref<!tpu.dma_semaphore, #tpu.memory_space<semaphore_mem>>)
      %dma_wait3A = arith.constant 0 : i32
      %dma_wait3A_44 = tpu.memref_slice %arg6[%arg0, %mul3A_39, %dma_wait3A] : memref<2x10240x128xf32, #tpu.memory_space<hbm>> -> memref<1x640x128xf32, #tpu.memory_space<hbm>>
      %dma_wait3A_45 = tpu.memref_squeeze %dma_wait3A_44 : memref<1x640x128xf32, #tpu.memory_space<hbm>> -> memref<640x128xf32, #tpu.memory_space<hbm>>
      %dma_wait3A_46 = arith.constant 0 : i32
      %dma_wait3A_47 = tpu.memref_slice %arg11[%mul3A_37, %dma_wait3A_46] : memref<10240x128xf32, #tpu.memory_space<vmem_shared>> -> memref<640x128xf32, #tpu.memory_space<vmem_shared>>
      tpu.wait_dma2 semaphore(%run_scoped3A : memref<!tpu.dma_semaphore, #tpu.memory_space<semaphore_mem>>) src(%dma_wait3A_47 : memref<640x128xf32, #tpu.memory_space<vmem_shared>>) dst(%dma_wait3A_45 : memref<640x128xf32, #tpu.memory_space<hbm>>)
      tpu.yield
    }) : () -> ()
    return
  }
}

module attributes {stable_mosaic.version = 14 : i64} {
  func.func @body(%arg0: i32, %arg1: memref<1000x128xf32, #tpu.memory_space<vmem>>, %arg2: memref<128x128xf32, #tpu.memory_space<vmem>>, %arg3: memref<2x1000x1xf32, #tpu.memory_space<vmem>>, %arg4: memref<1000x128xf32, #tpu.memory_space<vmem>>, %arg5: memref<1000x1xf32, #tpu.memory_space<vmem>>) attributes {dimension_semantics = [#tpu.dimension_semantics<arbitrary>], iteration_bounds = array<i64: 10>, scalar_prefetch = 0 : i64, scratch_operands = 0 : i64, tpu.core_type = #tpu.core_type<tc>, window_params = [{transform_indices = @transform_0, window_bounds = array<i64: 1000, 128>}, {pipeline_mode = #tpu.pipeline_mode<synchronous>, transform_indices = @transform_1, window_bounds = array<i64: 128, 128>}, {transform_indices = @transform_2, window_bounds = array<i64: 2, 1000, 1>}, {transform_indices = @transform_3, window_bounds = array<i64: 1000, 128>}, {transform_indices = @transform_4, window_bounds = array<i64: 1000, 1>}]} {
    %get3A = arith.constant 0 : index
    %get3A_0 = arith.constant 0 : index
    %get3A_1 = arith.constant 0 : index
    %get3A_2 = vector.load %arg3[%get3A, %get3A_0, %get3A_1] : memref<2x1000x1xf32, #tpu.memory_space<vmem>>, vector<1x1000x1xf32>
    %get3A_3 = vector.shape_cast %get3A_2 : vector<1x1000x1xf32> to vector<1000x1xf32>
    %get3A_4 = arith.constant 1 : index
    %get3A_5 = arith.constant 0 : index
    %get3A_6 = arith.constant 0 : index
    %get3A_7 = vector.load %arg3[%get3A_4, %get3A_5, %get3A_6] : memref<2x1000x1xf32, #tpu.memory_space<vmem>>, vector<1x1000x1xf32>
    %get3A_8 = vector.shape_cast %get3A_7 : vector<1x1000x1xf32> to vector<1000x1xf32>
    %add3A = arith.addf %get3A_3, %get3A_8 : vector<1000x1xf32>
    %add3A_9 = arith.constant 1.000000e+00 : f32
    %add3A_10 = vector.broadcast %add3A_9 : f32 to vector<1000x1xf32>
    %add3A_11 = arith.addf %add3A, %add3A_10 : vector<1000x1xf32>
    %rsqrt3A = math.rsqrt %add3A_11 : vector<1000x1xf32>
    %get3A_12 = arith.constant 0 : index
    %get3A_13 = arith.constant 0 : index
    %get3A_14 = vector.load %arg1[%get3A_12, %get3A_13] : memref<1000x128xf32, #tpu.memory_space<vmem>>, vector<1000x128xf32>
    %get3A_15 = arith.constant 0 : index
    %get3A_16 = arith.constant 0 : index
    %get3A_17 = vector.load %arg2[%get3A_15, %get3A_16] : memref<128x128xf32, #tpu.memory_space<vmem>>, vector<128x128xf32>
    %dot_general3A = arith.constant dense<0.000000e+00> : vector<1000x128xf32>
    %dot_general3A_18 = tpu.matmul %get3A_14, %get3A_17, %dot_general3A {dimension_numbers = #tpu.dot_dimension_numbers<[1], [0], [0], [1], [0, 0, 1, 1], [], []>, transpose_lhs_hint = false} : vector<1000x128xf32>, vector<128x128xf32>, vector<1000x128xf32> -> vector<1000x128xf32>
    %mul3A = vector.broadcast %rsqrt3A : vector<1000x1xf32> to vector<1000x128xf32>
    %mul3A_19 = arith.mulf %dot_general3A_18, %mul3A : vector<1000x128xf32>
    %swap3A = arith.constant 0 : index
    %swap3A_20 = arith.constant 0 : index
    %swap3A_21 = vector.load %arg4[%swap3A, %swap3A_20] : memref<1000x128xf32, #tpu.memory_space<vmem>>, vector<1000x128xf32>
    tpu.vector_store %arg4[%swap3A, %swap3A_20], %mul3A_19 {strides = array<i32>} : memref<1000x128xf32, #tpu.memory_space<vmem>>, vector<1000x128xf32>,
    %swap3A_22 = arith.constant 0 : index
    %swap3A_23 = arith.constant 0 : index
    %swap3A_24 = vector.load %arg5[%swap3A_22, %swap3A_23] : memref<1000x1xf32, #tpu.memory_space<vmem>>, vector<1000x1xf32>
    tpu.vector_store %arg5[%swap3A_22, %swap3A_23], %rsqrt3A {strides = array<i32>} : memref<1000x1xf32, #tpu.memory_space<vmem>>, vector<1000x1xf32>,
    return
  }
  func.func @transform_0(%arg0: i32) -> (i32, i32) {
    %c0_i32 = arith.constant 0 : i32
    %c0_i32_0 = arith.constant 0 : i32
    return %arg0, %c0_i32 : i32, i32
  }
  func.func @transform_1(%arg0: i32) -> (i32, i32) {
    %c0_i32 = arith.constant 0 : i32
    %c0_i32_0 = arith.constant 0 : i32
    %c0_i32_1 = arith.constant 0 : i32
    return %c0_i32, %c0_i32_0 : i32, i32
  }
  func.func @transform_2(%arg0: i32) -> (i32, i32, i32) {
    %c0_i32 = arith.constant 0 : i32
    %c0_i32_0 = arith.constant 0 : i32
    %c0_i32_1 = arith.constant 0 : i32
    return %c0_i32, %arg0, %c0_i32_0 : i32, i32, i32
  }
  func.func @transform_3(%arg0: i32) -> (i32, i32) {
    %c0_i32 = arith.constant 0 : i32
    %c0_i32_0 = arith.constant 0 : i32
    return %arg0, %c0_i32 : i32, i32
  }
  func.func @transform_4(%arg0: i32) -> (i32, i32) {
    %c0_i32 = arith.constant 0 : i32
    %c0_i32_0 = arith.constant 0 : i32
    return %arg0, %c0_i32 : i32, i32
  }
}

module attributes {stable_mosaic.version = 14 : i64} {
  func.func @body(%arg0: i32, %arg1: memref<2x1000x128xf32, #tpu.memory_space<vmem>>, %arg2: memref<1000x128xf32, #tpu.memory_space<vmem>>, %arg3: memref<1000x1xf32, #tpu.memory_space<vmem>>, %arg4: memref<1x128xf32, #tpu.memory_space<vmem>>, %arg5: memref<128x128xf32, #tpu.memory_space<vmem>>, %arg6: memref<1000x128xf32, #tpu.memory_space<vmem>>) attributes {dimension_semantics = [#tpu.dimension_semantics<arbitrary>], iteration_bounds = array<i64: 10>, scalar_prefetch = 0 : i64, scratch_operands = 0 : i64, tpu.core_type = #tpu.core_type<tc>, window_params = [{transform_indices = @transform_0, window_bounds = array<i64: 2, 1000, 128>}, {transform_indices = @transform_1, window_bounds = array<i64: 1000, 128>}, {transform_indices = @transform_2, window_bounds = array<i64: 1000, 1>}, {pipeline_mode = #tpu.pipeline_mode<synchronous>, transform_indices = @transform_3, window_bounds = array<i64: 1, 128>}, {pipeline_mode = #tpu.pipeline_mode<synchronous>, transform_indices = @transform_4, window_bounds = array<i64: 128, 128>}, {transform_indices = @transform_5, window_bounds = array<i64: 1000, 128>}]} {
    %get3A = arith.constant 0 : index
    %get3A_0 = arith.constant 0 : index
    %get3A_1 = vector.load %arg3[%get3A, %get3A_0] : memref<1000x1xf32, #tpu.memory_space<vmem>>, vector<1000x1xf32>
    %get3A_2 = arith.constant 0 : index
    %get3A_3 = arith.constant 0 : index
    %get3A_4 = arith.constant 0 : index
    %get3A_5 = vector.load %arg1[%get3A_2, %get3A_3, %get3A_4] : memref<2x1000x128xf32, #tpu.memory_space<vmem>>, vector<1x1000x128xf32>
    %get3A_6 = vector.shape_cast %get3A_5 : vector<1x1000x128xf32> to vector<1000x128xf32>
    %get3A_7 = arith.constant 1 : index
    %get3A_8 = arith.constant 0 : index
    %get3A_9 = arith.constant 0 : index
    %get3A_10 = vector.load %arg1[%get3A_7, %get3A_8, %get3A_9] : memref<2x1000x128xf32, #tpu.memory_space<vmem>>, vector<1x1000x128xf32>
    %get3A_11 = vector.shape_cast %get3A_10 : vector<1x1000x128xf32> to vector<1000x128xf32>
    %add3A = arith.addf %get3A_6, %get3A_11 : vector<1000x128xf32>
    %get3A_12 = arith.constant 0 : index
    %get3A_13 = arith.constant 0 : index
    %get3A_14 = vector.load %arg2[%get3A_12, %get3A_13] : memref<1000x128xf32, #tpu.memory_space<vmem>>, vector<1000x128xf32>
    %add3A_15 = arith.addf %add3A, %get3A_14 : vector<1000x128xf32>
    %mul3A = vector.broadcast %get3A_1 : vector<1000x1xf32> to vector<1000x128xf32>
    %mul3A_16 = arith.mulf %mul3A, %add3A_15 : vector<1000x128xf32>
    %get3A_17 = arith.constant 0 : index
    %get3A_18 = arith.constant 0 : index
    %get3A_19 = vector.load %arg4[%get3A_17, %get3A_18] : memref<1x128xf32, #tpu.memory_space<vmem>>, vector<1x128xf32>
    %add3A_20 = vector.broadcast %get3A_19 : vector<1x128xf32> to vector<1000x128xf32>
    %add3A_21 = arith.addf %mul3A_16, %add3A_20 : vector<1000x128xf32>
    %max3A = arith.constant 0.000000e+00 : f32
    %max3A_22 = vector.broadcast %max3A : f32 to vector<1000x128xf32>
    %max3A_23 = arith.maximumf %add3A_21, %max3A_22 : vector<1000x128xf32>
    %get3A_24 = arith.constant 0 : index
    %get3A_25 = arith.constant 0 : index
    %get3A_26 = vector.load %arg5[%get3A_24, %get3A_25] : memref<128x128xf32, #tpu.memory_space<vmem>>, vector<128x128xf32>
    %dot_general3A = arith.constant dense<0.000000e+00> : vector<1000x128xf32>
    %dot_general3A_27 = tpu.matmul %max3A_23, %get3A_26, %dot_general3A {dimension_numbers = #tpu.dot_dimension_numbers<[1], [0], [0], [1], [0, 0, 1, 1], [], []>, transpose_lhs_hint = false} : vector<1000x128xf32>, vector<128x128xf32>, vector<1000x128xf32> -> vector<1000x128xf32>
    %get3A_28 = arith.constant 0 : index
    %get3A_29 = arith.constant 0 : index
    %get3A_30 = vector.load %arg3[%get3A_28, %get3A_29] : memref<1000x1xf32, #tpu.memory_space<vmem>>, vector<1000x1xf32>
    %mul3A_31 = vector.broadcast %get3A_30 : vector<1000x1xf32> to vector<1000x128xf32>
    %mul3A_32 = arith.mulf %dot_general3A_27, %mul3A_31 : vector<1000x128xf32>
    %swap3A = arith.constant 0 : index
    %swap3A_33 = arith.constant 0 : index
    %swap3A_34 = vector.load %arg6[%swap3A, %swap3A_33] : memref<1000x128xf32, #tpu.memory_space<vmem>>, vector<1000x128xf32>
    tpu.vector_store %arg6[%swap3A, %swap3A_33], %mul3A_32 {strides = array<i32>} : memref<1000x128xf32, #tpu.memory_space<vmem>>, vector<1000x128xf32>,
    return
  }
  func.func @transform_0(%arg0: i32) -> (i32, i32, i32) {
    %c0_i32 = arith.constant 0 : i32
    %c0_i32_0 = arith.constant 0 : i32
    %c0_i32_1 = arith.constant 0 : i32
    return %c0_i32, %arg0, %c0_i32_0 : i32, i32, i32
  }
  func.func @transform_1(%arg0: i32) -> (i32, i32) {
    %c0_i32 = arith.constant 0 : i32
    %c0_i32_0 = arith.constant 0 : i32
    return %arg0, %c0_i32 : i32, i32
  }
  func.func @transform_2(%arg0: i32) -> (i32, i32) {
    %c0_i32 = arith.constant 0 : i32
    %c0_i32_0 = arith.constant 0 : i32
    return %arg0, %c0_i32 : i32, i32
  }
  func.func @transform_3(%arg0: i32) -> (i32, i32) {
    %c0_i32 = arith.constant 0 : i32
    %c0_i32_0 = arith.constant 0 : i32
    %c0_i32_1 = arith.constant 0 : i32
    return %c0_i32, %c0_i32_0 : i32, i32
  }
  func.func @transform_4(%arg0: i32) -> (i32, i32) {
    %c0_i32 = arith.constant 0 : i32
    %c0_i32_0 = arith.constant 0 : i32
    %c0_i32_1 = arith.constant 0 : i32
    return %c0_i32, %c0_i32_0 : i32, i32
  }
  func.func @transform_5(%arg0: i32) -> (i32, i32) {
    %c0_i32 = arith.constant 0 : i32
    %c0_i32_0 = arith.constant 0 : i32
    return %arg0, %c0_i32 : i32, i32
  }
}

module attributes {stable_mosaic.version = 14 : i64} {
  func.func @body(%arg0: i32, %arg1: memref<2x1000x128xf32, #tpu.memory_space<vmem>>, %arg2: memref<1000x128xf32, #tpu.memory_space<vmem>>, %arg3: memref<1000x1xf32, #tpu.memory_space<vmem>>, %arg4: memref<1x128xf32, #tpu.memory_space<vmem>>, %arg5: memref<128x64xf32, #tpu.memory_space<vmem>>, %arg6: memref<1x64xf32, #tpu.memory_space<vmem>>, %arg7: memref<128x64xf32, #tpu.memory_space<vmem>>, %arg8: memref<1x64xf32, #tpu.memory_space<vmem>>, %arg9: memref<1x64xf32, #tpu.memory_space<vmem>>, %arg10: memref<1x64xf32, #tpu.memory_space<vmem>>, %arg11: memref<1x128xf32, #tpu.memory_space<vmem>>) attributes {dimension_semantics = [#tpu.dimension_semantics<arbitrary>], iteration_bounds = array<i64: 10>, scalar_prefetch = 0 : i64, scratch_operands = 1 : i64, tpu.core_type = #tpu.core_type<tc>, window_params = [{transform_indices = @transform_0, window_bounds = array<i64: 2, 1000, 128>}, {transform_indices = @transform_1, window_bounds = array<i64: 1000, 128>}, {transform_indices = @transform_2, window_bounds = array<i64: 1000, 1>}, {pipeline_mode = #tpu.pipeline_mode<synchronous>, transform_indices = @transform_3, window_bounds = array<i64: 1, 128>}, {pipeline_mode = #tpu.pipeline_mode<synchronous>, transform_indices = @transform_4, window_bounds = array<i64: 128, 64>}, {pipeline_mode = #tpu.pipeline_mode<synchronous>, transform_indices = @transform_5, window_bounds = array<i64: 1, 64>}, {pipeline_mode = #tpu.pipeline_mode<synchronous>, transform_indices = @transform_6, window_bounds = array<i64: 128, 64>}, {pipeline_mode = #tpu.pipeline_mode<synchronous>, transform_indices = @transform_7, window_bounds = array<i64: 1, 64>}, {pipeline_mode = #tpu.pipeline_mode<synchronous>, transform_indices = @transform_8, window_bounds = array<i64: 1, 64>}, {pipeline_mode = #tpu.pipeline_mode<synchronous>, transform_indices = @transform_9, window_bounds = array<i64: 1, 64>}]} {
    %eq3A = arith.constant 0 : i32
    %eq3A_0 = arith.cmpi eq, %arg0, %eq3A : i32
    %convert_element_type3A = arith.extui %eq3A_0 : i1 to i32
    %cond3A = arith.constant 0 : i32
    %cond3A_1 = arith.cmpi ne, %convert_element_type3A, %cond3A : i32
    scf.if %cond3A_1 {
      %broadcast_in_dim3A_31 = arith.constant 0.000000e+00 : f32
      %broadcast_in_dim3A_32 = vector.broadcast %broadcast_in_dim3A_31 : f32 to vector<1x128xf32>
      %swap3A_33 = arith.constant 0 : index
      %swap3A_34 = arith.constant 0 : index
      %swap3A_35 = vector.load %arg11[%swap3A_33, %swap3A_34] : memref<1x128xf32, #tpu.memory_space<vmem>>, vector<1x128xf32>
      tpu.vector_store %arg11[%swap3A_33, %swap3A_34], %broadcast_in_dim3A_32 {strides = array<i32>} : memref<1x128xf32, #tpu.memory_space<vmem>>, vector<1x128xf32>,
    } else {
    }
    %get3A = arith.constant 0 : index
    %get3A_2 = arith.constant 0 : index
    %get3A_3 = vector.load %arg3[%get3A, %get3A_2] : memref<1000x1xf32, #tpu.memory_space<vmem>>, vector<1000x1xf32>
    %get3A_4 = arith.constant 0 : index
    %get3A_5 = arith.constant 0 : index
    %get3A_6 = arith.constant 0 : index
    %get3A_7 = vector.load %arg1[%get3A_4, %get3A_5, %get3A_6] : memref<2x1000x128xf32, #tpu.memory_space<vmem>>, vector<1x1000x128xf32>
    %get3A_8 = vector.shape_cast %get3A_7 : vector<1x1000x128xf32> to vector<1000x128xf32>
    %get3A_9 = arith.constant 1 : index
    %get3A_10 = arith.constant 0 : index
    %get3A_11 = arith.constant 0 : index
    %get3A_12 = vector.load %arg1[%get3A_9, %get3A_10, %get3A_11] : memref<2x1000x128xf32, #tpu.memory_space<vmem>>, vector<1x1000x128xf32>
    %get3A_13 = vector.shape_cast %get3A_12 : vector<1x1000x128xf32> to vector<1000x128xf32>
    %add3A = arith.addf %get3A_8, %get3A_13 : vector<1000x128xf32>
    %get3A_14 = arith.constant 0 : index
    %get3A_15 = arith.constant 0 : index
    %get3A_16 = vector.load %arg2[%get3A_14, %get3A_15] : memref<1000x128xf32, #tpu.memory_space<vmem>>, vector<1000x128xf32>
    %add3A_17 = arith.addf %add3A, %get3A_16 : vector<1000x128xf32>
    %mul3A = vector.broadcast %get3A_3 : vector<1000x1xf32> to vector<1000x128xf32>
    %mul3A_18 = arith.mulf %mul3A, %add3A_17 : vector<1000x128xf32>
    %get3A_19 = arith.constant 0 : index
    %get3A_20 = arith.constant 0 : index
    %get3A_21 = vector.load %arg11[%get3A_19, %get3A_20] : memref<1x128xf32, #tpu.memory_space<vmem>>, vector<1x128xf32>
    %reduce_sum3A = arith.constant dense<0.000000e+00> : vector<128xf32>
    %reduce_sum3A_22 = vector.multi_reduction <add>, %mul3A_18, %reduce_sum3A [0] : vector<1000x128xf32> to vector<128xf32>
    %broadcast_in_dim3A = vector.shape_cast %reduce_sum3A_22 : vector<128xf32> to vector<1x128xf32>
    %add3A_23 = arith.addf %get3A_21, %broadcast_in_dim3A : vector<1x128xf32>
    %swap3A = arith.constant 0 : index
    %swap3A_24 = arith.constant 0 : index
    %swap3A_25 = vector.load %arg11[%swap3A, %swap3A_24] : memref<1x128xf32, #tpu.memory_space<vmem>>, vector<1x128xf32>
    tpu.vector_store %arg11[%swap3A, %swap3A_24], %add3A_23 {strides = array<i32>} : memref<1x128xf32, #tpu.memory_space<vmem>>, vector<1x128xf32>,
    %eq3A_26 = arith.constant 9 : i32
    %eq3A_27 = arith.cmpi eq, %arg0, %eq3A_26 : i32
    %convert_element_type3A_28 = arith.extui %eq3A_27 : i1 to i32
    %cond3A_29 = arith.constant 0 : i32
    %cond3A_30 = arith.cmpi ne, %convert_element_type3A_28, %cond3A_29 : i32
    scf.if %cond3A_30 {
      %get3A_31 = arith.constant 0 : index
      %get3A_32 = arith.constant 0 : index
      %get3A_33 = vector.load %arg11[%get3A_31, %get3A_32] : memref<1x128xf32, #tpu.memory_space<vmem>>, vector<1x128xf32>
      %mul3A_34 = arith.constant 9.99999974E-5 : f32
      %mul3A_35 = vector.broadcast %mul3A_34 : f32 to vector<1x128xf32>
      %mul3A_36 = arith.mulf %get3A_33, %mul3A_35 : vector<1x128xf32>
      %get3A_37 = arith.constant 0 : index
      %get3A_38 = arith.constant 0 : index
      %get3A_39 = vector.load %arg4[%get3A_37, %get3A_38] : memref<1x128xf32, #tpu.memory_space<vmem>>, vector<1x128xf32>
      %add3A_40 = arith.addf %mul3A_36, %get3A_39 : vector<1x128xf32>
      %get3A_41 = arith.constant 0 : index
      %get3A_42 = arith.constant 0 : index
      %get3A_43 = vector.load %arg5[%get3A_41, %get3A_42] : memref<128x64xf32, #tpu.memory_space<vmem>>, vector<128x64xf32>
      %dot_general3A = arith.constant dense<0.000000e+00> : vector<1x64xf32>
      %dot_general3A_44 = tpu.matmul %add3A_40, %get3A_43, %dot_general3A {dimension_numbers = #tpu.dot_dimension_numbers<[1], [0], [0], [1], [0, 0, 1, 1], [], []>, transpose_lhs_hint = false} : vector<1x128xf32>, vector<128x64xf32>, vector<1x64xf32> -> vector<1x64xf32>
      %get3A_45 = arith.constant 0 : index
      %get3A_46 = arith.constant 0 : index
      %get3A_47 = vector.load %arg6[%get3A_45, %get3A_46] : memref<1x64xf32, #tpu.memory_space<vmem>>, vector<1x64xf32>
      %add3A_48 = arith.addf %dot_general3A_44, %get3A_47 : vector<1x64xf32>
      %swap3A_49 = arith.constant 0 : index
      %swap3A_50 = arith.constant 0 : index
      %swap3A_51 = vector.load %arg9[%swap3A_49, %swap3A_50] : memref<1x64xf32, #tpu.memory_space<vmem>>, vector<1x64xf32>
      tpu.vector_store %arg9[%swap3A_49, %swap3A_50], %add3A_48 {strides = array<i32>} : memref<1x64xf32, #tpu.memory_space<vmem>>, vector<1x64xf32>,
      %get3A_52 = arith.constant 0 : index
      %get3A_53 = arith.constant 0 : index
      %get3A_54 = vector.load %arg7[%get3A_52, %get3A_53] : memref<128x64xf32, #tpu.memory_space<vmem>>, vector<128x64xf32>
      %dot_general3A_55 = arith.constant dense<0.000000e+00> : vector<1x64xf32>
      %dot_general3A_56 = tpu.matmul %add3A_40, %get3A_54, %dot_general3A_55 {dimension_numbers = #tpu.dot_dimension_numbers<[1], [0], [0], [1], [0, 0, 1, 1], [], []>, transpose_lhs_hint = false} : vector<1x128xf32>, vector<128x64xf32>, vector<1x64xf32> -> vector<1x64xf32>
      %get3A_57 = arith.constant 0 : index
      %get3A_58 = arith.constant 0 : index
      %get3A_59 = vector.load %arg8[%get3A_57, %get3A_58] : memref<1x64xf32, #tpu.memory_space<vmem>>, vector<1x64xf32>
      %add3A_60 = arith.addf %dot_general3A_56, %get3A_59 : vector<1x64xf32>
      %swap3A_61 = arith.constant 0 : index
      %swap3A_62 = arith.constant 0 : index
      %swap3A_63 = vector.load %arg10[%swap3A_61, %swap3A_62] : memref<1x64xf32, #tpu.memory_space<vmem>>, vector<1x64xf32>
      tpu.vector_store %arg10[%swap3A_61, %swap3A_62], %add3A_60 {strides = array<i32>} : memref<1x64xf32, #tpu.memory_space<vmem>>, vector<1x64xf32>,
    } else {
    }
    return
  }
  func.func @transform_0(%arg0: i32) -> (i32, i32, i32) {
    %c0_i32 = arith.constant 0 : i32
    %c0_i32_0 = arith.constant 0 : i32
    %c0_i32_1 = arith.constant 0 : i32
    return %c0_i32, %arg0, %c0_i32_0 : i32, i32, i32
  }
  func.func @transform_1(%arg0: i32) -> (i32, i32) {
    %c0_i32 = arith.constant 0 : i32
    %c0_i32_0 = arith.constant 0 : i32
    return %arg0, %c0_i32 : i32, i32
  }
  func.func @transform_2(%arg0: i32) -> (i32, i32) {
    %c0_i32 = arith.constant 0 : i32
    %c0_i32_0 = arith.constant 0 : i32
    return %arg0, %c0_i32 : i32, i32
  }
  func.func @transform_3(%arg0: i32) -> (i32, i32) {
    %c0_i32 = arith.constant 0 : i32
    %c0_i32_0 = arith.constant 0 : i32
    %c0_i32_1 = arith.constant 0 : i32
    return %c0_i32, %c0_i32_0 : i32, i32
  }
  func.func @transform_4(%arg0: i32) -> (i32, i32) {
    %c0_i32 = arith.constant 0 : i32
    %c0_i32_0 = arith.constant 0 : i32
    %c0_i32_1 = arith.constant 0 : i32
    return %c0_i32, %c0_i32_0 : i32, i32
  }
  func.func @transform_5(%arg0: i32) -> (i32, i32) {
    %c0_i32 = arith.constant 0 : i32
    %c0_i32_0 = arith.constant 0 : i32
    %c0_i32_1 = arith.constant 0 : i32
    return %c0_i32, %c0_i32_0 : i32, i32
  }
  func.func @transform_6(%arg0: i32) -> (i32, i32) {
    %c0_i32 = arith.constant 0 : i32
    %c0_i32_0 = arith.constant 0 : i32
    %c0_i32_1 = arith.constant 0 : i32
    return %c0_i32, %c0_i32_0 : i32, i32
  }
  func.func @transform_7(%arg0: i32) -> (i32, i32) {
    %c0_i32 = arith.constant 0 : i32
    %c0_i32_0 = arith.constant 0 : i32
    %c0_i32_1 = arith.constant 0 : i32
    return %c0_i32, %c0_i32_0 : i32, i32
  }
  func.func @transform_8(%arg0: i32) -> (i32, i32) {
    %c0_i32 = arith.constant 0 : i32
    %c0_i32_0 = arith.constant 0 : i32
    %c0_i32_1 = arith.constant 0 : i32
    return %c0_i32, %c0_i32_0 : i32, i32
  }
  func.func @transform_9(%arg0: i32) -> (i32, i32) {
    %c0_i32 = arith.constant 0 : i32
    %c0_i32_0 = arith.constant 0 : i32
    %c0_i32_1 = arith.constant 0 : i32
    return %c0_i32, %c0_i32_0 : i32, i32
  }
}

</mosaic_0001>

<sc_bundles>
// kernel: kernel.11.cloned.1.call-start
scs
__scs_entry_jumppad:
0x0: {  	(pc) =	sbr.rel $0x88, $3  }
0x1: {  	(tag) =	ssettag $0x0;
	lr =	simm.s32 $0x1  }
0x2: {  	[smem:$0x3F96] =	sst lr;
	_ =	strace $0xD0000000  }
0x3: {  	_ = 	snop  }
0x4: {  	_ = 	snop  }
0x5: {  	_ = 	snop  }
0x6: {  	_ = 	snop  }
0x7: {  	_ = 	snop  }
__scs_overlays_trampoline_lowered:
0x8: {  	[smem:$0x3FA5] =	sst s0  }
0x9: {  	[smem:$0x3FA6] =	sst s1  }
0xa: {  	[smem:$0x3FA7] =	sst s2  }
0xb: {  	[smem:$0x3FA8] =	sst s3  }
0xc: {  	[smem:$0x3FA9] =	sst s4  }
0xd: {  	[smem:$0x3FAA] =	sst s5  }
0xe: {  	[smem:$0x3FAB] =	sst s6  }
0xf: {  	[smem:$0x3FAC] =	sst s7  }
0x10: {  	[smem:$0x3FAD] =	sst s8  }
0x11: {  	[smem:$0x3FAE] =	sst s9;
	s0 =	simm.s32 @!p0 $0x0  }
0x12: {  	s1 =	sld [smem:$0x3F94];
	s0 =	simm.s32 @p0 $0x1  }
0x13: {  	[smem:$0x3FAF] =	sst s0;
	s0 =	simm.s32 @!p1 $0x0  }
0x14: {  	s2 =	sld [smem:$0x3F93];
	s0 =	simm.s32 @p1 $0x1  }
0x15: {  	[smem:$0x3FB0] =	sst s0;
	s0 =	simm.s32 @!p2 $0x0  }
0x16: {  	s3 =	sld [smem:$0x3FDB];
	s0 =	simm.s32 @p2 $0x1  }
0x17: {  	s4 =	simm.s32 $0x1BF5;
	[smem:$0x3FB2] =	sst s0  }
0x18: {  	s0 =	sld [smem:$0x3F95];
	_ =	swait.ge [sflag:s4], $0x0  }
0x19: {  	s7 =	sld [smem:$0x3F96]  }
0x1a: {  	s8 =	sadd.s32 $0xFFFFE003, lr  }
0x1b: {  	s9 =	sadd.s32 $0xFFFFFEF7, lr;
	s5 =	simm.s32 $0xFFFFFFFF;
	p2 =	slt.u32 s8, $0xFFFFF086  }
0x1c: {  	p1 =	slt.u32 s9, $0xF7A;
	s5 =	simm.s32 @!p2 $0x0  }
0x1d: {  	s5 =	simm.s32 @p1 $0x1;
	p0 =	seq.s32 s7, s2  }
0x1e: {  	s7 =	smul.u32 @!p0 $0xF7A, s2;
	p2 =	seq.s32 @!p0 s5, $0x0  }
0x1f: {  	s9 =	smul.u32 $0xF7A, s1;
	s8 =	simm.s32 @!p0 $0x1BF5;
	p2 =	por !p2, p0  }
0x20: {  	[sflag:s8] =	ssyncset.s32 @!p0 $0xFFFFF086;
	s6 =	sadd.s32 @!p0 s3, s7;
	s7 =	simm.s32 @!p0 $0x108  }
0x21: {  	s3 =	sadd.s32 s3, s9;
	s6 =	sadd.s32 @!p0 $0x88, s6;
	s7 =	simm.s32 @p2 $0x1082  }
0x22: {  	[simem:s7], [sflag:s8] =	dma.local @!p0 [hbm:s6], $0xF7A  }
0x23: {  	s9 =	sor.u32 $0xD0000000, s2;
	s6 =	simm.s32 $0x108;
	_ =	swait.ge @!p0 [sflag:s8], $0x0  }
0x24: {  	s3 =	sadd.s32 $0x88, s3;
	s6 =	simm.s32 @!p1 $0x1082;
	[sflag:s4] =	ssyncset.s32 $0xFFFFF086  }
0x25: {  	[simem:s6], [sflag:s4] =	dma.local [hbm:s3], $0xF7A  }
0x26: {  	[smem:$0x3F96] =	sst s1;
	(tag) =	ssettag s2;
	_ =	strace s9  }
0x27: {  	s1 =	sld [smem:$0x3FA6]  }
0x28: {  	s2 =	sld [smem:$0x3FA7]  }
0x29: {  	s4 =	sld [smem:$0x3FA9]  }
0x2a: {  	p0 =	seq.s32 s5, $0x0;
	s5 =	sld [smem:$0x3FAA]  }
0x2b: {  	s6 =	sld [smem:$0x3FAB]  }
0x2c: {  	s7 =	sld [smem:$0x3FAC]  }
0x2d: {  	s3 =	simm.s32 $0x108;
	s8 =	sld [smem:$0x3FAD]  }
0x2e: {  	s3 =	simm.s32 @!p0 $0x1082;
	s9 =	sld [smem:$0x3FAE]  }
0x2f: {  	lr =	sadd.s32 s0, s3;
	s0 =	sld [smem:$0x3FA5]  }
0x30: {  	s3 =	sld [smem:$0x3FA8]  }
0x31: {  	[smem:$0x3FB1] =	sst s10  }
0x32: {  	s10 =	sld [smem:$0x3FAF];
	_ =	sdelay $0x3  }
0x33: {  	p0 =	seq.s32 s10, $0x1;
	s10 =	sld [smem:$0x3FB1];
	_ =	sdelay $0x3  }
0x34: {  	[smem:$0x3FB1] =	sst s10  }
0x35: {  	s10 =	sld [smem:$0x3FB0];
	_ =	sdelay $0x3  }
0x36: {  	p1 =	seq.s32 s10, $0x1;
	s10 =	sld [smem:$0x3FB1];
	_ =	sdelay $0x3  }
0x37: {  	[smem:$0x3FB1] =	sst s10  }
0x38: {  	s10 =	sld [smem:$0x3FB2]  }
0x39: {  	_ = 	snop;
	(pc) =	sbr.ind lr, $3  }
0x3a: {  	_ = 	snop  }
0x3b: {  	_ = 	snop  }
0x3c: {  	p2 =	seq.s32 s10, $0x1;
	s10 =	sld [smem:$0x3FB1]  }
0x3d: {  	_ =	shalt  }
0x3e: {  	_ =	shalt  }
0x3f: {  	_ =	shalt  }
0x40: {  	_ =	shalt  }
0x41: {  	_ =	shalt  }
0x42: {  	_ =	shalt  }
0x43: {  	_ =	shalt  }
0x44: {  	_ =	shalt  }
0x45: {  	_ =	shalt  }
0x46: {  	_ =	shalt  }
0x47: {  	_ =	shalt  }
0x48: {  	_ =	shalt  }
0x49: {  	_ =	shalt  }
0x4a: {  	_ =	shalt  }
0x4b: {  	_ =	shalt  }
0x4c: {  	_ =	shalt  }
0x4d: {  	_ =	shalt  }
0x4e: {  	_ =	shalt  }
0x4f: {  	_ =	shalt  }
0x50: {  	_ =	shalt  }
0x51: {  	_ =	shalt  }
0x52: {  	_ =	shalt  }
0x53: {  	_ =	shalt  }
0x54: {  	_ =	shalt  }
0x55: {  	_ =	shalt  }
0x56: {  	_ =	shalt  }
0x57: {  	_ =	shalt  }
0x58: {  	_ =	shalt  }
0x59: {  	_ =	shalt  }
0x5a: {  	_ =	shalt  }
0x5b: {  	_ =	shalt  }
0x5c: {  	_ =	shalt  }
0x5d: {  	_ =	shalt  }
0x5e: {  	_ =	shalt  }
0x5f: {  	_ =	shalt  }
0x60: {  	_ =	shalt  }
0x61: {  	_ =	shalt  }
0x62: {  	_ =	shalt  }
0x63: {  	_ =	shalt  }
0x64: {  	_ =	shalt  }
0x65: {  	_ =	shalt  }
0x66: {  	_ =	shalt  }
0x67: {  	_ =	shalt  }
0x68: {  	_ =	shalt  }
0x69: {  	_ =	shalt  }
0x6a: {  	_ =	shalt  }
0x6b: {  	_ =	shalt  }
0x6c: {  	_ =	shalt  }
0x6d: {  	_ =	shalt  }
0x6e: {  	_ =	shalt  }
0x6f: {  	_ =	shalt  }
0x70: {  	_ =	shalt  }
0x71: {  	_ =	shalt  }
0x72: {  	_ =	shalt  }
0x73: {  	_ =	shalt  }
0x74: {  	_ =	shalt  }
0x75: {  	_ =	shalt  }
0x76: {  	_ =	shalt  }
0x77: {  	_ =	shalt  }
0x78: {  	_ =	shalt  }
0x79: {  	_ =	shalt  }
0x7a: {  	_ =	shalt  }
0x7b: {  	_ =	shalt  }
0x7c: {  	_ =	shalt  }
0x7d: {  	_ =	shalt  }
0x7e: {  	_ =	shalt  }
0x7f: {  	_ =	shalt  }
0x80: {  	_ =	shalt  }
0x81: {  	_ =	shalt  }
0x82: {  	_ =	shalt  }
0x83: {  	_ =	shalt  }
0x84: {  	_ =	shalt  }
0x85: {  	_ =	shalt  }
0x86: {  	_ =	shalt  }
0x87: {  	_ =	shalt  }
.Lfunc_end0:
.L_simem_size_0:
called_computation.1_lowered:
.L_overlay_start_0:
0x88: {  	s2 =	sld [smem:$0x3FD9]  }
0x89: {  	s3 =	sld [smem:$0x3FFE];
	_ =	sdelay $0x1  }
0x8a: {  	s1 =	srdreg.scid  }
0x8b: {  	s0 =	sand.u32 $0x1, s1  }
0x8c: {  	s16 =	sshll.u32 s0, $0xA;
	s2 =	sadd.s32 s3, s2  }
0x8d: {  	s2 =	sadd.s32 s2, s16  }
0x8e: {  	[smem:$0x3FBD] =	sst s2  }
0x8f: {  	_ = 	snop  }
0x90: {  	(tm) =	ssettm $0x1  }
0x91: {  	s17 =	sld [smem:$0x3FFB];
	_ =	sdelay $0x3  }
0x92: {  	_ =	strace s17  }
0x93: {  	s2 =	sld [smem:$0x3FFC];
	_ =	sdelay $0x3  }
0x94: {  	_ =	strace s2  }
0x95: {  	s2 =	sld [smem:$0x3FFD];
	_ =	sdelay $0x3  }
0x96: {  	_ =	strace s2  }
0x97: {  	_ =	strace $0x8FFFFFFF  }
0x98: {  	s18 =	sld [smem:$0x3FDB];
	_ =	sdelay $0x1  }
0x99: {  	s19 =	simm.s32 $_scs_section_size  }
0x9a: {  	s4 =	simm.s32 $_size__tile_overlayer_lowered;
	s5 =	simm.s32 $_tile_overlayer_lowered  }
0x9b: {  	s22 =	simm.s32 $0x1BFF;
	s21 =	sshll.u32 s5, $0x1;
	s2 =	sadd.s32 s19, s18  }
0x9c: {  	s6 =	simm.s32 $0x0;
	s20 =	sshll.u32 s4, $0x1;
	s4 =	sadd.s32 s21, s2  }
0x9d: {  	[timem:s6], [sflag:s22] =	dma.local [hbm:s4], s20  }
0x9e: {  	_ =	swait.ge [sflag:s22], s20  }
0x9f: {  	s3 =	ssub.s32 $0x0, s20;
	[sflag:s22] =	ssyncset.done $0x0  }
0xa0: {  	[sflag:s22] =	ssyncadd.s32 s3;
	_ =	sdelay $0x1  }
0xa1: {  	s23 =	simm.s32 $0x1B8B  }
0xa2: {  	_ =	swait.ge [sflag:s23], $0x1  }
0xa3: {  	[sflag:s23] =	ssyncset.done $0x0  }
0xa4: {  	s25 =	simm.s32 $0x1B8E;
	s24 =	sld [smem:$0x3FFE];
	[sflag:s23] =	ssyncadd.s32 $0xFFFFFFFF  }
0xa5: {  	s26 =	simm.s32 $execute0_lowered;
	[smem:$0x3FD2] =	sst s25  }
0xa6: {  	s4 =	sshll.u32 s26, $0x1;
	_ =	strace $0x80000049;
	[dreg:$0x1] =	wrdreg $0xFFFFFFFF  }
0xa7: {  	s28 =	simm.s32 $_size_execute0_lowered;
	s2 =	sadd.s32 s2, s4;
	[dreg:$0x0] =	wrdreg $0x0  }
0xa8: {  	s4 =	sshll.u32 s28, $0x1;
	[dreg:$0x2] =	wrdreg s2  }
0xa9: {  	[dreg:$0x3] =	wrdreg s4  }
0xaa: {  	[dreg:$0x4] =	wrdreg $0xC0  }
0xab: {  	_ =	task [dreg:s6], $0x5FFFF  }
0xac: {  	[dreg:$0x1] =	wrdreg $0xFFFFFFFF  }
0xad: {  	[dreg:$0x0] =	wrdreg $0x60  }
0xae: {  	[dreg:$0x2] =	wrdreg s24  }
0xaf: {  	[dreg:$0x3] =	wrdreg $0xB8000  }
0xb0: {  	[dreg:$0x4] =	wrdreg $0x9  }
0xb1: {  	_ =	task.clear_ibuf [dreg:s6], $0x5FFFF;
	_ =	strace $0x90000049  }
0xb2: {  	s29 =	simm.s32 $0x9;
	_ =	strace $0x8000004B  }
0xb3: {  	_ =	swait.ge [sflag:s29], $0x1  }
0xb4: {  	[sflag:s29] =	ssyncadd.s32 $0xFFFFFFFF  }
0xb5: {  	_ =	strace $0x9000004B  }
0xb6: {  	_ =	sfence  }
0xb7: {  	s30 =	sld [smem:$0x0];
	_ =	sdelay $0x2  }
0xb8: {  	s31 =	sshll.u32 s1, $0xD;
	s1 =	sshrl.u32 s1, $0x2  }
0xb9: {  	s3 =	sand.u32 $0x4000, s31;
	s1 =	sadd.s32 s1, s30  }
0xba: {  	s0 =	sor.u32 s3, s0;
	s1 =	sshll.u32 s1, $0x11  }
0xbb: {  	s0 =	sor.u32 s1, s0  }
0xbc: {  	s0 =	sadd.s32 $0x8F2B, s0  }
0xbd: {  	[sflag:s0] =	ssyncadd.remote.s32 $0x1  }
0xbe: {  	_ =	sfence.sel $0xFFFF  }
0xbf: {  	[dreg:$0x0] =	wrdreg $0xFFFFFFFF;
	(pc) =	sbr.abs _section_cstart, $3  }
0xc0: {  	[dreg:$0x1] =	wrdreg $0xFFFFFFFF  }
0xc1: {  	_ =	task.clear_ibuf [dreg:s6], $0x2FFFF;
	_ =	strace $0x9FFFFFFF  }
0xc2: {  	(tm) =	ssettm $0x7FFFFFFF  }
0xc3: {  	_ =	shalt  }
tec
execute0_lowered:
.L_overlay_start_1:
0x0: {  	(tag) =	ssettag $0x1  }
0x1: {  	s1 =	srdreg.scid  }
0x2: {  	s0 =	stileid.u32;
	s6 =	rddreg [dreg:$0x0]  }
0x3: {  	s2 =	rddreg [dreg:$0x1];
	s3 =	simm.s32 $0x0;
	s15 =	simm.s32 $0x7800  }
0x4: {  	s16 =	simm.s32 $0x2;
	s17 =	simm.s32 $0x2800;
	s18 =	simm.s32 $0x5000  }
0x5: {  	s19 =	simm.s32 $0x80;
	s20 =	simm.s32 $0x1;
	s5 =	sand.u32 $0x1, s1  }
0x6: {  	s26 =	sshll.u32 s0, $0x1;
	[smem:$0x7FF] =	sst s3;
	s9 =	smul.u32 $0x14000, s0  }
0x7: {  	s10 =	smul.u32 $0x50000, s0;
	s4 =	sadd.s32 $0x21A00, s6;
	s21 =	sshll.u32 s0, $0x6  }
0x8: {  	s1 =	sor.u32 s5, s26;
	s8 =	smul.u32 $0x140000, s5;
	s29 =	ssub.s32 $0x2, s5  }
0x9: {  	s21 =	sor.u32 $0x1C02, s21;
	s7 =	smul.u32 $0x500, s1;
	s1 =	rddreg [dreg:$0x2]  }
0xa: {  	_ =	strace $0x8000004A;
	s30 =	sshrl.u32 s10, $0x2;
	s31 =	sshrl.u32 s29, $0x1  }
0xb: {  	s28 =	sadd.s32 s9, s8;
	s5 =	sadd.s32 s30, s2;
	s14 =	ssub.s32 s29, s31  }
0xc: {  	s12 =	sadd.s32 s7, s6;
	s7 =	sshrl.u32 s28, $0x3;
	s8 =	sadd.s32 $0xC000, s5  }
0xd: {  	s9 =	sadd.s32 $0x10000, s5;
	s14 =	smax.u32 s14, $0x1;
	s13 =	sadd.s32 s7, s6  }
0xe: {  	s6 =	sadd.s32 $0x4000, s5;
	s7 =	sadd.s32 $0x8000, s5;
	s10 =	sadd.s32 $0x17A00, s12  }
0xf: {  	v0 =	vimm.f32 $0.0e+00;
	s11 =	sadd.s32 $0x3000, s12;
	s12 =	sadd.s32 $0xD000, s12;
	s13 =	sadd.s32 $0x48C00, s13  }
.LBB2_1:
0x10: {  	s22 =	simm.s32 $0x0;
	s23 =	simm.s32 $0x200  }
.LBB2_2:
0x11: {  	p0 =	sne.s32 s23, $0xFE00;
	[tilespmem:s22+$0x7870] =	vst v0  }
0x12: {  	[tilespmem:s22+$0x7800] =	vst v0  }
0x13: {  	[tilespmem:s22+$0x7810] =	vst v0  }
.Ltmp0:
0x14: {  	[tilespmem:s22+$0x7820] =	vst v0;
	(pc) =	sbr.rel @p0 .LBB2_2-.Ltmp0, $4  }
0x15: {  	[tilespmem:s22+$0x7830] =	vst v0  }
0x16: {  	[tilespmem:s22+$0x7840] =	vst v0  }
0x17: {  	[tilespmem:s22+$0x7850] =	vst v0  }
0x18: {  	[tilespmem:s22+$0x7860] =	vst v0;
	s22 =	sshra.s32 s23, $0x2;
	s23 =	sadd.s32 $0x200, s23  }
0x19: {  	[tilespmem:s22+$0x7870] =	vst v0  }
0x1a: {  	[tilespmem:s22+$0x7800] =	vst v0  }
0x1b: {  	[tilespmem:s22+$0x7810] =	vst v0  }
0x1c: {  	[tilespmem:s22+$0x7820] =	vst v0  }
0x1d: {  	[tilespmem:s22+$0x7830] =	vst v0  }
0x1e: {  	[tilespmem:s22+$0x7840] =	vst v0  }
0x1f: {  	[tilespmem:s22+$0x7850] =	vst v0  }
0x20: {  	[tilespmem:s22+$0x7860] =	vst v0  }
0x21: {  	[spmem:s5] =	stream.linear.scatter [tilespmem:s15], [sflag:$0x2], $0x4000, $0x38;
	[tilespmem:$0x1F800] =	vst v63  }
0x22: {  	_ =	swait.ge [sflag:s16], $0x4000  }
0x23: {  	[sflag:s16] =	ssyncset.done $0x0  }
0x24: {  	[sflag:s16] =	ssyncadd.s32 $0xFFFFC000  }
0x25: {  	[spmem:s6] =	stream.linear.scatter [tilespmem:s15], [sflag:$0x2], $0x4000, $0x38;
	[tilespmem:$0x1F800] =	vst v63  }
0x26: {  	_ =	swait.ge [sflag:s16], $0x4000  }
0x27: {  	[sflag:s16] =	ssyncset.done $0x0  }
0x28: {  	[sflag:s16] =	ssyncadd.s32 $0xFFFFC000  }
0x29: {  	[spmem:s7] =	stream.linear.scatter [tilespmem:s15], [sflag:$0x2], $0x4000, $0x38;
	[tilespmem:$0x1F800] =	vst v63  }
0x2a: {  	_ =	swait.ge [sflag:s16], $0x4000  }
0x2b: {  	[sflag:s16] =	ssyncset.done $0x0  }
0x2c: {  	[sflag:s16] =	ssyncadd.s32 $0xFFFFC000  }
0x2d: {  	[spmem:s8] =	stream.linear.scatter [tilespmem:s15], [sflag:$0x2], $0x4000, $0x38;
	[tilespmem:$0x1F800] =	vst v63  }
0x2e: {  	_ =	swait.ge [sflag:s16], $0x4000  }
0x2f: {  	[sflag:s16] =	ssyncset.done $0x0  }
0x30: {  	[sflag:s16] =	ssyncadd.s32 $0xFFFFC000  }
0x31: {  	[spmem:s9] =	stream.linear.scatter [tilespmem:s15], [sflag:$0x2], $0x4000, $0x38;
	[tilespmem:$0x1F800] =	vst v63  }
0x32: {  	_ =	swait.ge [sflag:s16], $0x4000  }
0x33: {  	[sflag:s16] =	ssyncset.done $0x0  }
0x34: {  	s22 =	simm.s32 $0x0;
	[sflag:s16] =	ssyncadd.s32 $0xFFFFC000  }
0x35: {  	[tilespmem:s22], [sflag:$0x2] =	stream.linear.gather [hbm4b:s10+s22], $0x2780, $0x38;
	[tilespmem:$0x1F800] =	vst v63  }
0x36: {  	_ =	swait.ge [sflag:s16], $0x2780  }
0x37: {  	[sflag:s16] =	ssyncset.done $0x0  }
0x38: {  	[sflag:s16] =	ssyncadd.s32 $0xFFFFD880  }
0x39: {  	[tilespmem:s17], [sflag:$0x2] =	stream.linear.gather [hbm4b:s11+s22], $0x2780, $0x38;
	[tilespmem:$0x1F800] =	vst v63  }
0x3a: {  	_ =	swait.ge [sflag:s16], $0x2780  }
0x3b: {  	[sflag:s16] =	ssyncset.done $0x0  }
0x3c: {  	[sflag:s16] =	ssyncadd.s32 $0xFFFFD880  }
0x3d: {  	[tilespmem:s18], [sflag:$0x2] =	stream.linear.gather [hbm4b:s12+s22], $0x2780, $0x38;
	[tilespmem:$0x1F800] =	vst v63  }
0x3e: {  	_ =	swait.ge [sflag:s16], $0x2780  }
0x3f: {  	[sflag:s16] =	ssyncset.done $0x0  }
0x40: {  	[sflag:s16] =	ssyncadd.s32 $0xFFFFD880  }
0x41: {  	s23 =	simm.s32 $0x0;
	[bflag:$0x0] =	sbarrier.arrive $0xFFFF  }
.LBB2_4:
0x42: {  	s24 =	sshll.u32 s23, $0x7  }
0x43: {  	s25 =	sadd.s32 $0x5000, s24  }
0x44: {  	[tilespmem:s15], [sflag:$0x1] =	stream.indirect.gather [hbm4b:s4+s19], $0x80, s24, s19, $0xb8;
	v1 =	vmov s25;
	[tilespmem:$0x1F800] =	vst v63  }
0x45: {  	_ =	swait.ge [sflag:s20], $0x4000  }
0x46: {  	[sflag:s20] =	ssyncset.done $0x0  }
0x47: {  	s25 =	simm.s32 $0x7840;
	[sflag:s20] =	ssyncadd.s32 $0xFFFFC000  }
0x48: {  	s26 =	sand.u32 $0x70, s22;
	v6 =	vld [tilespmem:s25+$0x30]  }
0x49: {  	v3 =	vld.idx.msk [tilespmem:v1+s26+$0x0 ss:$0x1], $0xffff  }
0x4a: {  	v9 =	vld [tilespmem:s25+$0x10]  }
0x4b: {  	v7 =	vld [tilespmem:s25+$0xFFFFFFC0]  }
0x4c: {  	v11 =	vld [tilespmem:s25+$0xFFFFFFE0]  }
0x4d: {  	v4 =	vmov s22;
	v2 =	vld [tilespmem:s25+$0xFFFFFFF0]  }
0x4e: {  	v5 =	vld [tilespmem:s25+$0xFFFFFFD0];
	v3 =	vperm.xlane v3, v4  }
0x4f: {  	v4 =	vld [tilespmem:s25+$0x20]  }
0x50: {  	v10 =	vmul.f32 v6, v3;
	v6 =	vld [tilespmem:s25+$0x0]  }
0x51: {  	v8 =	vmul.f32 v7, v3  }
0x52: {  	s28 =	simm.s32 $0x7840;
	s26 =	simm.s32 $0x1;
	v7 =	vmul.f32 v11, v3;
	v9 =	vmul.f32 v9, v3  }
.LBB2_5:
0x53: {  	p0 =	sne.s32 s26, $0x7F  }
0x54: {  	v5 =	vmul.f32 v5, v3;
	v4 =	vmul.f32 v4, v3;
	[tilespmem:s25+$0x30] =	vst v10;
	s28 =	sadd.s32 $0x80, s28;
	s29 =	smov.u32 s26;
	s26 =	sadd.s32 $0x1, s26  }
0x55: {  	v2 =	vmul.f32 v2, v3;
	[tilespmem:s25+$0xFFFFFFC0] =	vst v8;
	v3 =	vmul.f32 v6, v3  }
0x56: {  	[tilespmem:s25+$0x10] =	vst v9  }
0x57: {  	[tilespmem:s25+$0xFFFFFFE0] =	vst v7  }
0x58: {  	[tilespmem:s25+$0xFFFFFFF0] =	vst v2  }
0x59: {  	[tilespmem:s25+$0x0] =	vst v3  }
0x5a: {  	v2 =	vld [tilespmem:s28+$0xFFFFFFF0];
	[tilespmem:s25+$0x20] =	vst v4  }
0x5b: {  	s30 =	sand.u32 $0x70, s29;
	v7 =	vld [tilespmem:s28+$0x30];
	[tilespmem:s25+$0xFFFFFFD0] =	vst v5;
	s25 =	smov.u32 s28  }
0x5c: {  	v3 =	vld.idx.msk [tilespmem:v1+s30+$0x0 ss:$0x1], $0xffff  }
0x5d: {  	v9 =	vld [tilespmem:s28+$0x10]  }
0x5e: {  	v8 =	vld [tilespmem:s28+$0xFFFFFFC0]  }
0x5f: {  	v11 =	vld [tilespmem:s28+$0xFFFFFFE0]  }
0x60: {  	v4 =	vld [tilespmem:s28+$0x20]  }
.Ltmp1:
0x61: {  	v6 =	vmov s29;
	v5 =	vld [tilespmem:s28+$0xFFFFFFD0];
	(pc) =	sbr.rel @p0 .LBB2_5-.Ltmp1, $3  }
0x62: {  	v3 =	vperm.xlane v3, v6;
	v6 =	vld [tilespmem:s28+$0x0];
	_ =	sdelay $0x1  }
0x63: {  	v8 =	vmul.f32 v8, v3;
	v10 =	vmul.f32 v7, v3  }
0x64: {  	v9 =	vmul.f32 v9, v3;
	v7 =	vmul.f32 v11, v3  }
0x65: {  	[tilespmem:s25+$0x30] =	vst v10  }
0x66: {  	[tilespmem:s25+$0xFFFFFFC0] =	vst v8  }
0x67: {  	v1 =	vmul.f32 v2, v3;
	[tilespmem:s25+$0x10] =	vst v9  }
0x68: {  	v4 =	vmul.f32 v4, v3;
	[tilespmem:s25+$0xFFFFFFE0] =	vst v7  }
0x69: {  	v2 =	vmul.f32 v6, v3;
	[tilespmem:s25+$0xFFFFFFF0] =	vst v1  }
0x6a: {  	s23 =	sadd.s32 $0x1, s23;
	v1 =	vmul.f32 v5, v3;
	[tilespmem:s25+$0x20] =	vst v4  }
0x6b: {  	p0 =	sne.s32 s23, $0x4F;
	[tilespmem:s25+$0x0] =	vst v2  }
.Ltmp2:
0x6c: {  	s24 =	sadd.s32 $0x2800, s24;
	[tilespmem:s25+$0xFFFFFFD0] =	vst v1;
	(pc) =	sbr.rel @p0 .LBB2_4-.Ltmp2, $4  }
0x6d: {  	[spmem:s2] =	stream.indirect.scatter.add.f32 [tilespmem:s15], [sflag:$0x2], $0x80, s24, s19, $0xb8;
	[tilespmem:$0x1F800] =	vst v63  }
0x6e: {  	_ =	swait.ge [sflag:s16], $0x4000  }
0x6f: {  	[sflag:s16] =	ssyncset.done $0x0  }
0x70: {  	[sflag:s16] =	ssyncadd.s32 $0xFFFFC000  }
0x71: {  	s3 =	sadd.s32 $0x1, s3  }
0x72: {  	p0 =	sne.s32 s3, s14  }
.Ltmp3:
0x73: {  	[bflag:$0x0] =	sbarrier.arrive $0xFFFF;
	s22 =	sshrl.u32 s5, $0x3;
	(pc) =	sbr.rel @p0 .LBB2_1-.Ltmp3, $4  }
0x74: {  	[hbm:s13], [sflag:s21] =	dma.local [spmem:s22], $0x2800  }
0x75: {  	_ =	swait.ge [sflag:s16], $0x2800  }
0x76: {  	[sflag:s16] =	ssyncset.done $0x0  }
0x77: {  	[sflag:s16] =	ssyncadd.s32 $0xFFFFD800  }
0x78: {  	_ =	sfence.sel $0x180000  }
0x79: {  	[bflag:$0x0] =	sbarrier.arrive $0xFFFF  }
0x7a: {  	p0 =	sne.s32 s0, $0x0;
	_ =	strace $0x9000004A  }
0x7b: {  	s0 =	sadd.s32 @!p0 $0x100000, s1;
	[bflag:$0x2] =	sbarrier.arrive $0xFFFF  }
0x7c: {  	[sflag:s0] =	ssyncadd.tile.s32 @!p0 $0x1;
	_ =	shalt  }
.Lfunc_end2:
_tile_overlayer_lowered:
.L_overlay_start_2:
0x7d: {  	(tag) =	ssettag $0x2  }
0x7e: {  	s0 =	rddreg [dreg:$0x0];
	s2 =	stileid.u32  }
0x7f: {  	s1 =	rddreg [dreg:$0x1];
	p0 =	sne.s32 s2, $0x0  }
0x80: {  	s3 =	rddreg [dreg:$0x2];
	[bflag:$0x3] =	sbarrier.arrive $0xFFFF;
	s2 =	simm.s32 @!p0 $0x1C02  }
0x81: {  	[timem:s3], [sflag:s2] =	dma.local @!p0 [hbm:s0], s1  }
0x82: {  	s0 =	simm.s32 @!p0 $0x2  }
0x83: {  	_ =	swait.ge @!p0 [sflag:s0], s1  }
0x84: {  	s1 =	ssub.s32 @!p0 $0x0, s1;
	[sflag:s0] =	ssyncset.done @!p0 $0x0  }
0x85: {  	[sflag:s0] =	ssyncadd.s32 @!p0 s1  }
0x86: {  	[bflag:$0x3] =	sbarrier.arrive $0xFFFF  }
0x87: {  	_ =	shalt  }

// kernel: kernel.14.cloned.1.call-start
scs
__scs_entry_jumppad:
0x0: {  	(pc) =	sbr.rel $0x88, $3  }
0x1: {  	(tag) =	ssettag $0x0;
	lr =	simm.s32 $0x1  }
0x2: {  	[smem:$0x3F96] =	sst lr;
	_ =	strace $0xD0000000  }
0x3: {  	_ = 	snop  }
0x4: {  	_ = 	snop  }
0x5: {  	_ = 	snop  }
0x6: {  	_ = 	snop  }
0x7: {  	_ = 	snop  }
__scs_overlays_trampoline_lowered:
0x8: {  	[smem:$0x3FA5] =	sst s0  }
0x9: {  	[smem:$0x3FA6] =	sst s1  }
0xa: {  	[smem:$0x3FA7] =	sst s2  }
0xb: {  	[smem:$0x3FA8] =	sst s3  }
0xc: {  	[smem:$0x3FA9] =	sst s4  }
0xd: {  	[smem:$0x3FAA] =	sst s5  }
0xe: {  	[smem:$0x3FAB] =	sst s6  }
0xf: {  	[smem:$0x3FAC] =	sst s7  }
0x10: {  	[smem:$0x3FAD] =	sst s8  }
0x11: {  	[smem:$0x3FAE] =	sst s9;
	s0 =	simm.s32 @!p0 $0x0  }
0x12: {  	s1 =	sld [smem:$0x3F94];
	s0 =	simm.s32 @p0 $0x1  }
0x13: {  	[smem:$0x3FAF] =	sst s0;
	s0 =	simm.s32 @!p1 $0x0  }
0x14: {  	s2 =	sld [smem:$0x3F93];
	s0 =	simm.s32 @p1 $0x1  }
0x15: {  	[smem:$0x3FB0] =	sst s0;
	s0 =	simm.s32 @!p2 $0x0  }
0x16: {  	s3 =	sld [smem:$0x3FDB];
	s0 =	simm.s32 @p2 $0x1  }
0x17: {  	s4 =	simm.s32 $0x1BF5;
	[smem:$0x3FB2] =	sst s0  }
0x18: {  	s0 =	sld [smem:$0x3F95];
	_ =	swait.ge [sflag:s4], $0x0  }
0x19: {  	s7 =	sld [smem:$0x3F96]  }
0x1a: {  	s8 =	sadd.s32 $0xFFFFE003, lr  }
0x1b: {  	s9 =	sadd.s32 $0xFFFFFEF7, lr;
	s5 =	simm.s32 $0xFFFFFFFF;
	p2 =	slt.u32 s8, $0xFFFFF086  }
0x1c: {  	p1 =	slt.u32 s9, $0xF7A;
	s5 =	simm.s32 @!p2 $0x0  }
0x1d: {  	s5 =	simm.s32 @p1 $0x1;
	p0 =	seq.s32 s7, s2  }
0x1e: {  	s7 =	smul.u32 @!p0 $0xF7A, s2;
	p2 =	seq.s32 @!p0 s5, $0x0  }
0x1f: {  	s9 =	smul.u32 $0xF7A, s1;
	s8 =	simm.s32 @!p0 $0x1BF5;
	p2 =	por !p2, p0  }
0x20: {  	[sflag:s8] =	ssyncset.s32 @!p0 $0xFFFFF086;
	s6 =	sadd.s32 @!p0 s3, s7;
	s7 =	simm.s32 @!p0 $0x108  }
0x21: {  	s3 =	sadd.s32 s3, s9;
	s6 =	sadd.s32 @!p0 $0x88, s6;
	s7 =	simm.s32 @p2 $0x1082  }
0x22: {  	[simem:s7], [sflag:s8] =	dma.local @!p0 [hbm:s6], $0xF7A  }
0x23: {  	s9 =	sor.u32 $0xD0000000, s2;
	s6 =	simm.s32 $0x108;
	_ =	swait.ge @!p0 [sflag:s8], $0x0  }
0x24: {  	s3 =	sadd.s32 $0x88, s3;
	s6 =	simm.s32 @!p1 $0x1082;
	[sflag:s4] =	ssyncset.s32 $0xFFFFF086  }
0x25: {  	[simem:s6], [sflag:s4] =	dma.local [hbm:s3], $0xF7A  }
0x26: {  	[smem:$0x3F96] =	sst s1;
	(tag) =	ssettag s2;
	_ =	strace s9  }
0x27: {  	s1 =	sld [smem:$0x3FA6]  }
0x28: {  	s2 =	sld [smem:$0x3FA7]  }
0x29: {  	s4 =	sld [smem:$0x3FA9]  }
0x2a: {  	p0 =	seq.s32 s5, $0x0;
	s5 =	sld [smem:$0x3FAA]  }
0x2b: {  	s6 =	sld [smem:$0x3FAB]  }
0x2c: {  	s7 =	sld [smem:$0x3FAC]  }
0x2d: {  	s3 =	simm.s32 $0x108;
	s8 =	sld [smem:$0x3FAD]  }
0x2e: {  	s3 =	simm.s32 @!p0 $0x1082;
	s9 =	sld [smem:$0x3FAE]  }
0x2f: {  	lr =	sadd.s32 s0, s3;
	s0 =	sld [smem:$0x3FA5]  }
0x30: {  	s3 =	sld [smem:$0x3FA8]  }
0x31: {  	[smem:$0x3FB1] =	sst s10  }
0x32: {  	s10 =	sld [smem:$0x3FAF];
	_ =	sdelay $0x3  }
0x33: {  	p0 =	seq.s32 s10, $0x1;
	s10 =	sld [smem:$0x3FB1];
	_ =	sdelay $0x3  }
0x34: {  	[smem:$0x3FB1] =	sst s10  }
0x35: {  	s10 =	sld [smem:$0x3FB0];
	_ =	sdelay $0x3  }
0x36: {  	p1 =	seq.s32 s10, $0x1;
	s10 =	sld [smem:$0x3FB1];
	_ =	sdelay $0x3  }
0x37: {  	[smem:$0x3FB1] =	sst s10  }
0x38: {  	s10 =	sld [smem:$0x3FB2]  }
0x39: {  	_ = 	snop;
	(pc) =	sbr.ind lr, $3  }
0x3a: {  	_ = 	snop  }
0x3b: {  	_ = 	snop  }
0x3c: {  	p2 =	seq.s32 s10, $0x1;
	s10 =	sld [smem:$0x3FB1]  }
0x3d: {  	_ =	shalt  }
0x3e: {  	_ =	shalt  }
0x3f: {  	_ =	shalt  }
0x40: {  	_ =	shalt  }
0x41: {  	_ =	shalt  }
0x42: {  	_ =	shalt  }
0x43: {  	_ =	shalt  }
0x44: {  	_ =	shalt  }
0x45: {  	_ =	shalt  }
0x46: {  	_ =	shalt  }
0x47: {  	_ =	shalt  }
0x48: {  	_ =	shalt  }
0x49: {  	_ =	shalt  }
0x4a: {  	_ =	shalt  }
0x4b: {  	_ =	shalt  }
0x4c: {  	_ =	shalt  }
0x4d: {  	_ =	shalt  }
0x4e: {  	_ =	shalt  }
0x4f: {  	_ =	shalt  }
0x50: {  	_ =	shalt  }
0x51: {  	_ =	shalt  }
0x52: {  	_ =	shalt  }
0x53: {  	_ =	shalt  }
0x54: {  	_ =	shalt  }
0x55: {  	_ =	shalt  }
0x56: {  	_ =	shalt  }
0x57: {  	_ =	shalt  }
0x58: {  	_ =	shalt  }
0x59: {  	_ =	shalt  }
0x5a: {  	_ =	shalt  }
0x5b: {  	_ =	shalt  }
0x5c: {  	_ =	shalt  }
0x5d: {  	_ =	shalt  }
0x5e: {  	_ =	shalt  }
0x5f: {  	_ =	shalt  }
0x60: {  	_ =	shalt  }
0x61: {  	_ =	shalt  }
0x62: {  	_ =	shalt  }
0x63: {  	_ =	shalt  }
0x64: {  	_ =	shalt  }
0x65: {  	_ =	shalt  }
0x66: {  	_ =	shalt  }
0x67: {  	_ =	shalt  }
0x68: {  	_ =	shalt  }
0x69: {  	_ =	shalt  }
0x6a: {  	_ =	shalt  }
0x6b: {  	_ =	shalt  }
0x6c: {  	_ =	shalt  }
0x6d: {  	_ =	shalt  }
0x6e: {  	_ =	shalt  }
0x6f: {  	_ =	shalt  }
0x70: {  	_ =	shalt  }
0x71: {  	_ =	shalt  }
0x72: {  	_ =	shalt  }
0x73: {  	_ =	shalt  }
0x74: {  	_ =	shalt  }
0x75: {  	_ =	shalt  }
0x76: {  	_ =	shalt  }
0x77: {  	_ =	shalt  }
0x78: {  	_ =	shalt  }
0x79: {  	_ =	shalt  }
0x7a: {  	_ =	shalt  }
0x7b: {  	_ =	shalt  }
0x7c: {  	_ =	shalt  }
0x7d: {  	_ =	shalt  }
0x7e: {  	_ =	shalt  }
0x7f: {  	_ =	shalt  }
0x80: {  	_ =	shalt  }
0x81: {  	_ =	shalt  }
0x82: {  	_ =	shalt  }
0x83: {  	_ =	shalt  }
0x84: {  	_ =	shalt  }
0x85: {  	_ =	shalt  }
0x86: {  	_ =	shalt  }
0x87: {  	_ =	shalt  }
.Lfunc_end0:
.L_simem_size_0:
called_computation.2_lowered:
.L_overlay_start_0:
0x88: {  	s2 =	sld [smem:$0x3FD9]  }
0x89: {  	s3 =	sld [smem:$0x3FFE];
	_ =	sdelay $0x1  }
0x8a: {  	s1 =	srdreg.scid  }
0x8b: {  	s0 =	sand.u32 $0x1, s1  }
0x8c: {  	s16 =	sshll.u32 s0, $0xA;
	s2 =	sadd.s32 s3, s2  }
0x8d: {  	s2 =	sadd.s32 s2, s16  }
0x8e: {  	[smem:$0x3FBD] =	sst s2  }
0x8f: {  	_ = 	snop  }
0x90: {  	(tm) =	ssettm $0x1  }
0x91: {  	s17 =	sld [smem:$0x3FFB];
	_ =	sdelay $0x3  }
0x92: {  	_ =	strace s17  }
0x93: {  	s2 =	sld [smem:$0x3FFC];
	_ =	sdelay $0x3  }
0x94: {  	_ =	strace s2  }
0x95: {  	s2 =	sld [smem:$0x3FFD];
	_ =	sdelay $0x3  }
0x96: {  	_ =	strace s2  }
0x97: {  	_ =	strace $0x8FFFFFFF  }
0x98: {  	s18 =	sld [smem:$0x3FDB];
	_ =	sdelay $0x1  }
0x99: {  	s19 =	simm.s32 $_scs_section_size  }
0x9a: {  	s4 =	simm.s32 $_size__tile_overlayer_lowered;
	s5 =	simm.s32 $_tile_overlayer_lowered  }
0x9b: {  	s22 =	simm.s32 $0x1BFF;
	s21 =	sshll.u32 s5, $0x1;
	s2 =	sadd.s32 s19, s18  }
0x9c: {  	s6 =	simm.s32 $0x0;
	s20 =	sshll.u32 s4, $0x1;
	s4 =	sadd.s32 s21, s2  }
0x9d: {  	[timem:s6], [sflag:s22] =	dma.local [hbm:s4], s20  }
0x9e: {  	_ =	swait.ge [sflag:s22], s20  }
0x9f: {  	s3 =	ssub.s32 $0x0, s20;
	[sflag:s22] =	ssyncset.done $0x0  }
0xa0: {  	[sflag:s22] =	ssyncadd.s32 s3;
	_ =	sdelay $0x1  }
0xa1: {  	s23 =	simm.s32 $0x1B8B  }
0xa2: {  	_ =	swait.ge [sflag:s23], $0x1  }
0xa3: {  	[sflag:s23] =	ssyncset.done $0x0  }
0xa4: {  	s25 =	simm.s32 $0x1B8E;
	s24 =	sld [smem:$0x3FFE];
	[sflag:s23] =	ssyncadd.s32 $0xFFFFFFFF  }
0xa5: {  	s26 =	simm.s32 $execute0_lowered;
	[smem:$0x3FD2] =	sst s25  }
0xa6: {  	s4 =	sshll.u32 s26, $0x1;
	_ =	strace $0x8000004C;
	[dreg:$0x1] =	wrdreg $0xFFFFFFFF  }
0xa7: {  	s28 =	simm.s32 $_size_execute0_lowered;
	s2 =	sadd.s32 s2, s4;
	[dreg:$0x0] =	wrdreg $0x0  }
0xa8: {  	s4 =	sshll.u32 s28, $0x1;
	[dreg:$0x2] =	wrdreg s2  }
0xa9: {  	[dreg:$0x3] =	wrdreg s4  }
0xaa: {  	[dreg:$0x4] =	wrdreg $0xC0  }
0xab: {  	_ =	task [dreg:s6], $0x5FFFF  }
0xac: {  	[dreg:$0x1] =	wrdreg $0xFFFFFFFF  }
0xad: {  	[dreg:$0x0] =	wrdreg $0x60  }
0xae: {  	[dreg:$0x2] =	wrdreg s24  }
0xaf: {  	[dreg:$0x3] =	wrdreg $0xB8000  }
0xb0: {  	[dreg:$0x4] =	wrdreg $0x9  }
0xb1: {  	_ =	task.clear_ibuf [dreg:s6], $0x5FFFF;
	_ =	strace $0x9000004C  }
0xb2: {  	s29 =	simm.s32 $0x9;
	_ =	strace $0x8000004E  }
0xb3: {  	_ =	swait.ge [sflag:s29], $0x1  }
0xb4: {  	[sflag:s29] =	ssyncadd.s32 $0xFFFFFFFF  }
0xb5: {  	_ =	strace $0x9000004E  }
0xb6: {  	_ =	sfence  }
0xb7: {  	s30 =	sld [smem:$0x0];
	_ =	sdelay $0x2  }
0xb8: {  	s31 =	sshll.u32 s1, $0xD;
	s1 =	sshrl.u32 s1, $0x2  }
0xb9: {  	s3 =	sand.u32 $0x4000, s31;
	s1 =	sadd.s32 s1, s30  }
0xba: {  	s0 =	sor.u32 s3, s0;
	s1 =	sshll.u32 s1, $0x11  }
0xbb: {  	s0 =	sor.u32 s1, s0  }
0xbc: {  	s0 =	sadd.s32 $0x8F2B, s0  }
0xbd: {  	[sflag:s0] =	ssyncadd.remote.s32 $0x1  }
0xbe: {  	_ =	sfence.sel $0xFFFF  }
0xbf: {  	[dreg:$0x0] =	wrdreg $0xFFFFFFFF;
	(pc) =	sbr.abs _section_cstart, $3  }
0xc0: {  	[dreg:$0x1] =	wrdreg $0xFFFFFFFF  }
0xc1: {  	_ =	task.clear_ibuf [dreg:s6], $0x2FFFF;
	_ =	strace $0x9FFFFFFF  }
0xc2: {  	(tm) =	ssettm $0x7FFFFFFF  }
0xc3: {  	_ =	shalt  }
tec
execute0_lowered:
.L_overlay_start_1:
0x0: {  	(tag) =	ssettag $0x1  }
0x1: {  	s1 =	srdreg.scid  }
0x2: {  	s0 =	stileid.u32;
	s6 =	rddreg [dreg:$0x0]  }
0x3: {  	s2 =	rddreg [dreg:$0x1];
	s3 =	simm.s32 $0x0;
	s15 =	simm.s32 $0x7800  }
0x4: {  	s16 =	simm.s32 $0x2;
	s17 =	simm.s32 $0x2800;
	s18 =	simm.s32 $0x5000  }
0x5: {  	s19 =	simm.s32 $0x80;
	s20 =	simm.s32 $0x1;
	s5 =	sand.u32 $0x1, s1  }
0x6: {  	s26 =	sshll.u32 s0, $0x1;
	[smem:$0x7FF] =	sst s3;
	s9 =	smul.u32 $0x14000, s0  }
0x7: {  	s10 =	smul.u32 $0x50000, s0;
	s4 =	sadd.s32 $0x21A00, s6;
	s21 =	sshll.u32 s0, $0x6  }
0x8: {  	s1 =	sor.u32 s5, s26;
	s8 =	smul.u32 $0x140000, s5;
	s29 =	ssub.s32 $0x2, s5  }
0x9: {  	s21 =	sor.u32 $0x1C02, s21;
	s7 =	smul.u32 $0x500, s1;
	s1 =	rddreg [dreg:$0x2]  }
0xa: {  	_ =	strace $0x8000004D;
	s30 =	sshrl.u32 s10, $0x2;
	s31 =	sshrl.u32 s29, $0x1  }
0xb: {  	s28 =	sadd.s32 s9, s8;
	s5 =	sadd.s32 s30, s2;
	s14 =	ssub.s32 s29, s31  }
0xc: {  	s12 =	sadd.s32 s7, s6;
	s7 =	sshrl.u32 s28, $0x3;
	s8 =	sadd.s32 $0xC000, s5  }
0xd: {  	s9 =	sadd.s32 $0x10000, s5;
	s14 =	smax.u32 s14, $0x1;
	s13 =	sadd.s32 s7, s6  }
0xe: {  	s6 =	sadd.s32 $0x4000, s5;
	s7 =	sadd.s32 $0x8000, s5;
	s10 =	sadd.s32 $0x17A00, s12  }
0xf: {  	v0 =	vimm.f32 $0.0e+00;
	s11 =	sadd.s32 $0x3000, s12;
	s12 =	sadd.s32 $0xD000, s12;
	s13 =	sadd.s32 $0x48C00, s13  }
.LBB2_1:
0x10: {  	s22 =	simm.s32 $0x0;
	s23 =	simm.s32 $0x200  }
.LBB2_2:
0x11: {  	p0 =	sne.s32 s23, $0xFE00;
	[tilespmem:s22+$0x7870] =	vst v0  }
0x12: {  	[tilespmem:s22+$0x7800] =	vst v0  }
0x13: {  	[tilespmem:s22+$0x7810] =	vst v0  }
.Ltmp0:
0x14: {  	[tilespmem:s22+$0x7820] =	vst v0;
	(pc) =	sbr.rel @p0 .LBB2_2-.Ltmp0, $4  }
0x15: {  	[tilespmem:s22+$0x7830] =	vst v0  }
0x16: {  	[tilespmem:s22+$0x7840] =	vst v0  }
0x17: {  	[tilespmem:s22+$0x7850] =	vst v0  }
0x18: {  	[tilespmem:s22+$0x7860] =	vst v0;
	s22 =	sshra.s32 s23, $0x2;
	s23 =	sadd.s32 $0x200, s23  }
0x19: {  	[tilespmem:s22+$0x7870] =	vst v0  }
0x1a: {  	[tilespmem:s22+$0x7800] =	vst v0  }
0x1b: {  	[tilespmem:s22+$0x7810] =	vst v0  }
0x1c: {  	[tilespmem:s22+$0x7820] =	vst v0  }
0x1d: {  	[tilespmem:s22+$0x7830] =	vst v0  }
0x1e: {  	[tilespmem:s22+$0x7840] =	vst v0  }
0x1f: {  	[tilespmem:s22+$0x7850] =	vst v0  }
0x20: {  	[tilespmem:s22+$0x7860] =	vst v0  }
0x21: {  	[spmem:s5] =	stream.linear.scatter [tilespmem:s15], [sflag:$0x2], $0x4000, $0x38;
	[tilespmem:$0x1F800] =	vst v63  }
0x22: {  	_ =	swait.ge [sflag:s16], $0x4000  }
0x23: {  	[sflag:s16] =	ssyncset.done $0x0  }
0x24: {  	[sflag:s16] =	ssyncadd.s32 $0xFFFFC000  }
0x25: {  	[spmem:s6] =	stream.linear.scatter [tilespmem:s15], [sflag:$0x2], $0x4000, $0x38;
	[tilespmem:$0x1F800] =	vst v63  }
0x26: {  	_ =	swait.ge [sflag:s16], $0x4000  }
0x27: {  	[sflag:s16] =	ssyncset.done $0x0  }
0x28: {  	[sflag:s16] =	ssyncadd.s32 $0xFFFFC000  }
0x29: {  	[spmem:s7] =	stream.linear.scatter [tilespmem:s15], [sflag:$0x2], $0x4000, $0x38;
	[tilespmem:$0x1F800] =	vst v63  }
0x2a: {  	_ =	swait.ge [sflag:s16], $0x4000  }
0x2b: {  	[sflag:s16] =	ssyncset.done $0x0  }
0x2c: {  	[sflag:s16] =	ssyncadd.s32 $0xFFFFC000  }
0x2d: {  	[spmem:s8] =	stream.linear.scatter [tilespmem:s15], [sflag:$0x2], $0x4000, $0x38;
	[tilespmem:$0x1F800] =	vst v63  }
0x2e: {  	_ =	swait.ge [sflag:s16], $0x4000  }
0x2f: {  	[sflag:s16] =	ssyncset.done $0x0  }
0x30: {  	[sflag:s16] =	ssyncadd.s32 $0xFFFFC000  }
0x31: {  	[spmem:s9] =	stream.linear.scatter [tilespmem:s15], [sflag:$0x2], $0x4000, $0x38;
	[tilespmem:$0x1F800] =	vst v63  }
0x32: {  	_ =	swait.ge [sflag:s16], $0x4000  }
0x33: {  	[sflag:s16] =	ssyncset.done $0x0  }
0x34: {  	s22 =	simm.s32 $0x0;
	[sflag:s16] =	ssyncadd.s32 $0xFFFFC000  }
0x35: {  	[tilespmem:s22], [sflag:$0x2] =	stream.linear.gather [hbm4b:s10+s22], $0x2780, $0x38;
	[tilespmem:$0x1F800] =	vst v63  }
0x36: {  	_ =	swait.ge [sflag:s16], $0x2780  }
0x37: {  	[sflag:s16] =	ssyncset.done $0x0  }
0x38: {  	[sflag:s16] =	ssyncadd.s32 $0xFFFFD880  }
0x39: {  	[tilespmem:s17], [sflag:$0x2] =	stream.linear.gather [hbm4b:s11+s22], $0x2780, $0x38;
	[tilespmem:$0x1F800] =	vst v63  }
0x3a: {  	_ =	swait.ge [sflag:s16], $0x2780  }
0x3b: {  	[sflag:s16] =	ssyncset.done $0x0  }
0x3c: {  	[sflag:s16] =	ssyncadd.s32 $0xFFFFD880  }
0x3d: {  	[tilespmem:s18], [sflag:$0x2] =	stream.linear.gather [hbm4b:s12+s22], $0x2780, $0x38;
	[tilespmem:$0x1F800] =	vst v63  }
0x3e: {  	_ =	swait.ge [sflag:s16], $0x2780  }
0x3f: {  	[sflag:s16] =	ssyncset.done $0x0  }
0x40: {  	[sflag:s16] =	ssyncadd.s32 $0xFFFFD880  }
0x41: {  	s23 =	simm.s32 $0x0;
	[bflag:$0x0] =	sbarrier.arrive $0xFFFF  }
.LBB2_4:
0x42: {  	s24 =	sshll.u32 s23, $0x7  }
0x43: {  	s25 =	sadd.s32 $0x5000, s24  }
0x44: {  	[tilespmem:s15], [sflag:$0x1] =	stream.indirect.gather [hbm4b:s4+s19], $0x80, s24, s19, $0xb8;
	v1 =	vmov s25;
	[tilespmem:$0x1F800] =	vst v63  }
0x45: {  	_ =	swait.ge [sflag:s20], $0x4000  }
0x46: {  	[sflag:s20] =	ssyncset.done $0x0  }
0x47: {  	s25 =	simm.s32 $0x7840;
	[sflag:s20] =	ssyncadd.s32 $0xFFFFC000  }
0x48: {  	s26 =	sand.u32 $0x70, s22;
	v6 =	vld [tilespmem:s25+$0x30]  }
0x49: {  	v3 =	vld.idx.msk [tilespmem:v1+s26+$0x0 ss:$0x1], $0xffff  }
0x4a: {  	v9 =	vld [tilespmem:s25+$0x10]  }
0x4b: {  	v7 =	vld [tilespmem:s25+$0xFFFFFFC0]  }
0x4c: {  	v11 =	vld [tilespmem:s25+$0xFFFFFFE0]  }
0x4d: {  	v4 =	vmov s22;
	v2 =	vld [tilespmem:s25+$0xFFFFFFF0]  }
0x4e: {  	v5 =	vld [tilespmem:s25+$0xFFFFFFD0];
	v3 =	vperm.xlane v3, v4  }
0x4f: {  	v4 =	vld [tilespmem:s25+$0x20]  }
0x50: {  	v10 =	vmul.f32 v6, v3;
	v6 =	vld [tilespmem:s25+$0x0]  }
0x51: {  	v8 =	vmul.f32 v7, v3  }
0x52: {  	s28 =	simm.s32 $0x7840;
	s26 =	simm.s32 $0x1;
	v7 =	vmul.f32 v11, v3;
	v9 =	vmul.f32 v9, v3  }
.LBB2_5:
0x53: {  	p0 =	sne.s32 s26, $0x7F  }
0x54: {  	v5 =	vmul.f32 v5, v3;
	v4 =	vmul.f32 v4, v3;
	[tilespmem:s25+$0x30] =	vst v10;
	s28 =	sadd.s32 $0x80, s28;
	s29 =	smov.u32 s26;
	s26 =	sadd.s32 $0x1, s26  }
0x55: {  	v2 =	vmul.f32 v2, v3;
	[tilespmem:s25+$0xFFFFFFC0] =	vst v8;
	v3 =	vmul.f32 v6, v3  }
0x56: {  	[tilespmem:s25+$0x10] =	vst v9  }
0x57: {  	[tilespmem:s25+$0xFFFFFFE0] =	vst v7  }
0x58: {  	[tilespmem:s25+$0xFFFFFFF0] =	vst v2  }
0x59: {  	[tilespmem:s25+$0x0] =	vst v3  }
0x5a: {  	v2 =	vld [tilespmem:s28+$0xFFFFFFF0];
	[tilespmem:s25+$0x20] =	vst v4  }
0x5b: {  	s30 =	sand.u32 $0x70, s29;
	v7 =	vld [tilespmem:s28+$0x30];
	[tilespmem:s25+$0xFFFFFFD0] =	vst v5;
	s25 =	smov.u32 s28  }
0x5c: {  	v3 =	vld.idx.msk [tilespmem:v1+s30+$0x0 ss:$0x1], $0xffff  }
0x5d: {  	v9 =	vld [tilespmem:s28+$0x10]  }
0x5e: {  	v8 =	vld [tilespmem:s28+$0xFFFFFFC0]  }
0x5f: {  	v11 =	vld [tilespmem:s28+$0xFFFFFFE0]  }
0x60: {  	v4 =	vld [tilespmem:s28+$0x20]  }
.Ltmp1:
0x61: {  	v6 =	vmov s29;
	v5 =	vld [tilespmem:s28+$0xFFFFFFD0];
	(pc) =	sbr.rel @p0 .LBB2_5-.Ltmp1, $3  }
0x62: {  	v3 =	vperm.xlane v3, v6;
	v6 =	vld [tilespmem:s28+$0x0];
	_ =	sdelay $0x1  }
0x63: {  	v8 =	vmul.f32 v8, v3;
	v10 =	vmul.f32 v7, v3  }
0x64: {  	v9 =	vmul.f32 v9, v3;
	v7 =	vmul.f32 v11, v3  }
0x65: {  	[tilespmem:s25+$0x30] =	vst v10  }
0x66: {  	[tilespmem:s25+$0xFFFFFFC0] =	vst v8  }
0x67: {  	v1 =	vmul.f32 v2, v3;
	[tilespmem:s25+$0x10] =	vst v9  }
0x68: {  	v4 =	vmul.f32 v4, v3;
	[tilespmem:s25+$0xFFFFFFE0] =	vst v7  }
0x69: {  	v2 =	vmul.f32 v6, v3;
	[tilespmem:s25+$0xFFFFFFF0] =	vst v1  }
0x6a: {  	s23 =	sadd.s32 $0x1, s23;
	v1 =	vmul.f32 v5, v3;
	[tilespmem:s25+$0x20] =	vst v4  }
0x6b: {  	p0 =	sne.s32 s23, $0x4F;
	[tilespmem:s25+$0x0] =	vst v2  }
.Ltmp2:
0x6c: {  	s24 =	sadd.s32 $0x2800, s24;
	[tilespmem:s25+$0xFFFFFFD0] =	vst v1;
	(pc) =	sbr.rel @p0 .LBB2_4-.Ltmp2, $4  }
0x6d: {  	[spmem:s2] =	stream.indirect.scatter.add.f32 [tilespmem:s15], [sflag:$0x2], $0x80, s24, s19, $0xb8;
	[tilespmem:$0x1F800] =	vst v63  }
0x6e: {  	_ =	swait.ge [sflag:s16], $0x4000  }
0x6f: {  	[sflag:s16] =	ssyncset.done $0x0  }
0x70: {  	[sflag:s16] =	ssyncadd.s32 $0xFFFFC000  }
0x71: {  	s3 =	sadd.s32 $0x1, s3  }
0x72: {  	p0 =	sne.s32 s3, s14  }
.Ltmp3:
0x73: {  	[bflag:$0x0] =	sbarrier.arrive $0xFFFF;
	s22 =	sshrl.u32 s5, $0x3;
	(pc) =	sbr.rel @p0 .LBB2_1-.Ltmp3, $4  }
0x74: {  	[hbm:s13], [sflag:s21] =	dma.local [spmem:s22], $0x2800  }
0x75: {  	_ =	swait.ge [sflag:s16], $0x2800  }
0x76: {  	[sflag:s16] =	ssyncset.done $0x0  }
0x77: {  	[sflag:s16] =	ssyncadd.s32 $0xFFFFD800  }
0x78: {  	_ =	sfence.sel $0x180000  }
0x79: {  	[bflag:$0x0] =	sbarrier.arrive $0xFFFF  }
0x7a: {  	p0 =	sne.s32 s0, $0x0;
	_ =	strace $0x9000004D  }
0x7b: {  	s0 =	sadd.s32 @!p0 $0x100000, s1;
	[bflag:$0x2] =	sbarrier.arrive $0xFFFF  }
0x7c: {  	[sflag:s0] =	ssyncadd.tile.s32 @!p0 $0x1;
	_ =	shalt  }
.Lfunc_end2:
_tile_overlayer_lowered:
.L_overlay_start_2:
0x7d: {  	(tag) =	ssettag $0x2  }
0x7e: {  	s0 =	rddreg [dreg:$0x0];
	s2 =	stileid.u32  }
0x7f: {  	s1 =	rddreg [dreg:$0x1];
	p0 =	sne.s32 s2, $0x0  }
0x80: {  	s3 =	rddreg [dreg:$0x2];
	[bflag:$0x3] =	sbarrier.arrive $0xFFFF;
	s2 =	simm.s32 @!p0 $0x1C02  }
0x81: {  	[timem:s3], [sflag:s2] =	dma.local @!p0 [hbm:s0], s1  }
0x82: {  	s0 =	simm.s32 @!p0 $0x2  }
0x83: {  	_ =	swait.ge @!p0 [sflag:s0], s1  }
0x84: {  	s1 =	ssub.s32 @!p0 $0x0, s1;
	[sflag:s0] =	ssyncset.done @!p0 $0x0  }
0x85: {  	[sflag:s0] =	ssyncadd.s32 @!p0 s1  }
0x86: {  	[bflag:$0x3] =	sbarrier.arrive $0xFFFF  }
0x87: {  	_ =	shalt  }

// kernel: kernel.8.cloned.1.call-start
scs
__scs_entry_jumppad:
0x0: {  	(pc) =	sbr.rel $0x88, $3  }
0x1: {  	(tag) =	ssettag $0x0;
	lr =	simm.s32 $0x1  }
0x2: {  	[smem:$0x3F96] =	sst lr;
	_ =	strace $0xD0000000  }
0x3: {  	_ = 	snop  }
0x4: {  	_ = 	snop  }
0x5: {  	_ = 	snop  }
0x6: {  	_ = 	snop  }
0x7: {  	_ = 	snop  }
__scs_overlays_trampoline_lowered:
0x8: {  	[smem:$0x3FA5] =	sst s0  }
0x9: {  	[smem:$0x3FA6] =	sst s1  }
0xa: {  	[smem:$0x3FA7] =	sst s2  }
0xb: {  	[smem:$0x3FA8] =	sst s3  }
0xc: {  	[smem:$0x3FA9] =	sst s4  }
0xd: {  	[smem:$0x3FAA] =	sst s5  }
0xe: {  	[smem:$0x3FAB] =	sst s6  }
0xf: {  	[smem:$0x3FAC] =	sst s7  }
0x10: {  	[smem:$0x3FAD] =	sst s8  }
0x11: {  	[smem:$0x3FAE] =	sst s9;
	s0 =	simm.s32 @!p0 $0x0  }
0x12: {  	s1 =	sld [smem:$0x3F94];
	s0 =	simm.s32 @p0 $0x1  }
0x13: {  	[smem:$0x3FAF] =	sst s0;
	s0 =	simm.s32 @!p1 $0x0  }
0x14: {  	s2 =	sld [smem:$0x3F93];
	s0 =	simm.s32 @p1 $0x1  }
0x15: {  	[smem:$0x3FB0] =	sst s0;
	s0 =	simm.s32 @!p2 $0x0  }
0x16: {  	s3 =	sld [smem:$0x3FDB];
	s0 =	simm.s32 @p2 $0x1  }
0x17: {  	s4 =	simm.s32 $0x1BF5;
	[smem:$0x3FB2] =	sst s0  }
0x18: {  	s0 =	sld [smem:$0x3F95];
	_ =	swait.ge [sflag:s4], $0x0  }
0x19: {  	s7 =	sld [smem:$0x3F96]  }
0x1a: {  	s8 =	sadd.s32 $0xFFFFE003, lr  }
0x1b: {  	s9 =	sadd.s32 $0xFFFFFEF7, lr;
	s5 =	simm.s32 $0xFFFFFFFF;
	p2 =	slt.u32 s8, $0xFFFFF086  }
0x1c: {  	p1 =	slt.u32 s9, $0xF7A;
	s5 =	simm.s32 @!p2 $0x0  }
0x1d: {  	s5 =	simm.s32 @p1 $0x1;
	p0 =	seq.s32 s7, s2  }
0x1e: {  	s7 =	smul.u32 @!p0 $0xF7A, s2;
	p2 =	seq.s32 @!p0 s5, $0x0  }
0x1f: {  	s9 =	smul.u32 $0xF7A, s1;
	s8 =	simm.s32 @!p0 $0x1BF5;
	p2 =	por !p2, p0  }
0x20: {  	[sflag:s8] =	ssyncset.s32 @!p0 $0xFFFFF086;
	s6 =	sadd.s32 @!p0 s3, s7;
	s7 =	simm.s32 @!p0 $0x108  }
0x21: {  	s3 =	sadd.s32 s3, s9;
	s6 =	sadd.s32 @!p0 $0x88, s6;
	s7 =	simm.s32 @p2 $0x1082  }
0x22: {  	[simem:s7], [sflag:s8] =	dma.local @!p0 [hbm:s6], $0xF7A  }
0x23: {  	s9 =	sor.u32 $0xD0000000, s2;
	s6 =	simm.s32 $0x108;
	_ =	swait.ge @!p0 [sflag:s8], $0x0  }
0x24: {  	s3 =	sadd.s32 $0x88, s3;
	s6 =	simm.s32 @!p1 $0x1082;
	[sflag:s4] =	ssyncset.s32 $0xFFFFF086  }
0x25: {  	[simem:s6], [sflag:s4] =	dma.local [hbm:s3], $0xF7A  }
0x26: {  	[smem:$0x3F96] =	sst s1;
	(tag) =	ssettag s2;
	_ =	strace s9  }
0x27: {  	s1 =	sld [smem:$0x3FA6]  }
0x28: {  	s2 =	sld [smem:$0x3FA7]  }
0x29: {  	s4 =	sld [smem:$0x3FA9]  }
0x2a: {  	p0 =	seq.s32 s5, $0x0;
	s5 =	sld [smem:$0x3FAA]  }
0x2b: {  	s6 =	sld [smem:$0x3FAB]  }
0x2c: {  	s7 =	sld [smem:$0x3FAC]  }
0x2d: {  	s3 =	simm.s32 $0x108;
	s8 =	sld [smem:$0x3FAD]  }
0x2e: {  	s3 =	simm.s32 @!p0 $0x1082;
	s9 =	sld [smem:$0x3FAE]  }
0x2f: {  	lr =	sadd.s32 s0, s3;
	s0 =	sld [smem:$0x3FA5]  }
0x30: {  	s3 =	sld [smem:$0x3FA8]  }
0x31: {  	[smem:$0x3FB1] =	sst s10  }
0x32: {  	s10 =	sld [smem:$0x3FAF];
	_ =	sdelay $0x3  }
0x33: {  	p0 =	seq.s32 s10, $0x1;
	s10 =	sld [smem:$0x3FB1];
	_ =	sdelay $0x3  }
0x34: {  	[smem:$0x3FB1] =	sst s10  }
0x35: {  	s10 =	sld [smem:$0x3FB0];
	_ =	sdelay $0x3  }
0x36: {  	p1 =	seq.s32 s10, $0x1;
	s10 =	sld [smem:$0x3FB1];
	_ =	sdelay $0x3  }
0x37: {  	[smem:$0x3FB1] =	sst s10  }
0x38: {  	s10 =	sld [smem:$0x3FB2]  }
0x39: {  	_ = 	snop;
	(pc) =	sbr.ind lr, $3  }
0x3a: {  	_ = 	snop  }
0x3b: {  	_ = 	snop  }
0x3c: {  	p2 =	seq.s32 s10, $0x1;
	s10 =	sld [smem:$0x3FB1]  }
0x3d: {  	_ =	shalt  }
0x3e: {  	_ =	shalt  }
0x3f: {  	_ =	shalt  }
0x40: {  	_ =	shalt  }
0x41: {  	_ =	shalt  }
0x42: {  	_ =	shalt  }
0x43: {  	_ =	shalt  }
0x44: {  	_ =	shalt  }
0x45: {  	_ =	shalt  }
0x46: {  	_ =	shalt  }
0x47: {  	_ =	shalt  }
0x48: {  	_ =	shalt  }
0x49: {  	_ =	shalt  }
0x4a: {  	_ =	shalt  }
0x4b: {  	_ =	shalt  }
0x4c: {  	_ =	shalt  }
0x4d: {  	_ =	shalt  }
0x4e: {  	_ =	shalt  }
0x4f: {  	_ =	shalt  }
0x50: {  	_ =	shalt  }
0x51: {  	_ =	shalt  }
0x52: {  	_ =	shalt  }
0x53: {  	_ =	shalt  }
0x54: {  	_ =	shalt  }
0x55: {  	_ =	shalt  }
0x56: {  	_ =	shalt  }
0x57: {  	_ =	shalt  }
0x58: {  	_ =	shalt  }
0x59: {  	_ =	shalt  }
0x5a: {  	_ =	shalt  }
0x5b: {  	_ =	shalt  }
0x5c: {  	_ =	shalt  }
0x5d: {  	_ =	shalt  }
0x5e: {  	_ =	shalt  }
0x5f: {  	_ =	shalt  }
0x60: {  	_ =	shalt  }
0x61: {  	_ =	shalt  }
0x62: {  	_ =	shalt  }
0x63: {  	_ =	shalt  }
0x64: {  	_ =	shalt  }
0x65: {  	_ =	shalt  }
0x66: {  	_ =	shalt  }
0x67: {  	_ =	shalt  }
0x68: {  	_ =	shalt  }
0x69: {  	_ =	shalt  }
0x6a: {  	_ =	shalt  }
0x6b: {  	_ =	shalt  }
0x6c: {  	_ =	shalt  }
0x6d: {  	_ =	shalt  }
0x6e: {  	_ =	shalt  }
0x6f: {  	_ =	shalt  }
0x70: {  	_ =	shalt  }
0x71: {  	_ =	shalt  }
0x72: {  	_ =	shalt  }
0x73: {  	_ =	shalt  }
0x74: {  	_ =	shalt  }
0x75: {  	_ =	shalt  }
0x76: {  	_ =	shalt  }
0x77: {  	_ =	shalt  }
0x78: {  	_ =	shalt  }
0x79: {  	_ =	shalt  }
0x7a: {  	_ =	shalt  }
0x7b: {  	_ =	shalt  }
0x7c: {  	_ =	shalt  }
0x7d: {  	_ =	shalt  }
0x7e: {  	_ =	shalt  }
0x7f: {  	_ =	shalt  }
0x80: {  	_ =	shalt  }
0x81: {  	_ =	shalt  }
0x82: {  	_ =	shalt  }
0x83: {  	_ =	shalt  }
0x84: {  	_ =	shalt  }
0x85: {  	_ =	shalt  }
0x86: {  	_ =	shalt  }
0x87: {  	_ =	shalt  }
.Lfunc_end0:
.L_simem_size_0:
called_computation_lowered:
.L_overlay_start_0:
0x88: {  	s2 =	sld [smem:$0x3FD9]  }
0x89: {  	s3 =	sld [smem:$0x3FFE];
	_ =	sdelay $0x1  }
0x8a: {  	s1 =	srdreg.scid  }
0x8b: {  	s0 =	sand.u32 $0x1, s1  }
0x8c: {  	s16 =	sshll.u32 s0, $0xA;
	s2 =	sadd.s32 s3, s2  }
0x8d: {  	s2 =	sadd.s32 s2, s16  }
0x8e: {  	[smem:$0x3FBD] =	sst s2  }
0x8f: {  	_ = 	snop  }
0x90: {  	(tm) =	ssettm $0x1  }
0x91: {  	s17 =	sld [smem:$0x3FFB];
	_ =	sdelay $0x3  }
0x92: {  	_ =	strace s17  }
0x93: {  	s2 =	sld [smem:$0x3FFC];
	_ =	sdelay $0x3  }
0x94: {  	_ =	strace s2  }
0x95: {  	s2 =	sld [smem:$0x3FFD];
	_ =	sdelay $0x3  }
0x96: {  	_ =	strace s2  }
0x97: {  	_ =	strace $0x8FFFFFFF  }
0x98: {  	s18 =	sld [smem:$0x3FDB];
	_ =	sdelay $0x1  }
0x99: {  	s19 =	simm.s32 $_scs_section_size  }
0x9a: {  	s4 =	simm.s32 $_size__tile_overlayer_lowered;
	s5 =	simm.s32 $_tile_overlayer_lowered  }
0x9b: {  	s22 =	simm.s32 $0x1BFF;
	s21 =	sshll.u32 s5, $0x1;
	s2 =	sadd.s32 s19, s18  }
0x9c: {  	s6 =	simm.s32 $0x0;
	s20 =	sshll.u32 s4, $0x1;
	s4 =	sadd.s32 s21, s2  }
0x9d: {  	[timem:s6], [sflag:s22] =	dma.local [hbm:s4], s20  }
0x9e: {  	_ =	swait.ge [sflag:s22], s20  }
0x9f: {  	s3 =	ssub.s32 $0x0, s20;
	[sflag:s22] =	ssyncset.done $0x0  }
0xa0: {  	[sflag:s22] =	ssyncadd.s32 s3;
	_ =	sdelay $0x1  }
0xa1: {  	s23 =	simm.s32 $0x1B8B  }
0xa2: {  	_ =	swait.ge [sflag:s23], $0x1  }
0xa3: {  	[sflag:s23] =	ssyncset.done $0x0  }
0xa4: {  	s25 =	simm.s32 $0x1B8E;
	s24 =	sld [smem:$0x3FFE];
	[sflag:s23] =	ssyncadd.s32 $0xFFFFFFFF  }
0xa5: {  	s26 =	simm.s32 $execute0_lowered;
	[smem:$0x3FD2] =	sst s25  }
0xa6: {  	s4 =	sshll.u32 s26, $0x1;
	_ =	strace $0x80000046;
	[dreg:$0x1] =	wrdreg $0xFFFFFFFF  }
0xa7: {  	s28 =	simm.s32 $_size_execute0_lowered;
	s2 =	sadd.s32 s2, s4;
	[dreg:$0x0] =	wrdreg $0x0  }
0xa8: {  	s4 =	sshll.u32 s28, $0x1;
	[dreg:$0x2] =	wrdreg s2  }
0xa9: {  	[dreg:$0x3] =	wrdreg s4  }
0xaa: {  	[dreg:$0x4] =	wrdreg $0xC0  }
0xab: {  	_ =	task [dreg:s6], $0x5FFFF  }
0xac: {  	[dreg:$0x1] =	wrdreg $0xFFFFFFFF  }
0xad: {  	[dreg:$0x0] =	wrdreg $0x60  }
0xae: {  	[dreg:$0x2] =	wrdreg s24  }
0xaf: {  	[dreg:$0x3] =	wrdreg $0x52800  }
0xb0: {  	[dreg:$0x4] =	wrdreg $0x9  }
0xb1: {  	_ =	task.clear_ibuf [dreg:s6], $0x5FFFF;
	_ =	strace $0x90000046  }
0xb2: {  	s29 =	simm.s32 $0x9;
	_ =	strace $0x80000048  }
0xb3: {  	_ =	swait.ge [sflag:s29], $0x1  }
0xb4: {  	[sflag:s29] =	ssyncadd.s32 $0xFFFFFFFF  }
0xb5: {  	_ =	strace $0x90000048  }
0xb6: {  	_ =	sfence  }
0xb7: {  	s30 =	sld [smem:$0x0];
	_ =	sdelay $0x2  }
0xb8: {  	s31 =	sshll.u32 s1, $0xD;
	s1 =	sshrl.u32 s1, $0x2  }
0xb9: {  	s3 =	sand.u32 $0x4000, s31;
	s1 =	sadd.s32 s1, s30  }
0xba: {  	s0 =	sor.u32 s3, s0;
	s1 =	sshll.u32 s1, $0x11  }
0xbb: {  	s0 =	sor.u32 s1, s0  }
0xbc: {  	s0 =	sadd.s32 $0x8F2B, s0  }
0xbd: {  	[sflag:s0] =	ssyncadd.remote.s32 $0x1  }
0xbe: {  	_ =	sfence.sel $0xFFFF  }
0xbf: {  	[dreg:$0x0] =	wrdreg $0xFFFFFFFF;
	(pc) =	sbr.abs _section_cstart, $3  }
0xc0: {  	[dreg:$0x1] =	wrdreg $0xFFFFFFFF  }
0xc1: {  	_ =	task.clear_ibuf [dreg:s6], $0x2FFFF;
	_ =	strace $0x9FFFFFFF  }
0xc2: {  	(tm) =	ssettm $0x7FFFFFFF  }
0xc3: {  	_ =	shalt  }
tec
execute0_lowered:
.L_overlay_start_1:
0x0: {  	(tag) =	ssettag $0x1  }
0x1: {  	s4 =	rddreg [dreg:$0x0]  }
0x2: {  	s2 =	rddreg [dreg:$0x1]  }
0x3: {  	s3 =	srdreg.scid;
	s1 =	stileid.u32  }
0x4: {  	s0 =	rddreg [dreg:$0x2];
	s10 =	simm.s32 $0x1;
	s11 =	simm.s32 $0x2800  }
0x5: {  	s12 =	simm.s32 $0x80;
	s13 =	simm.s32 $0x100;
	s14 =	simm.s32 $0x0  }
0x6: {  	s5 =	sand.u32 $0x1, s3;
	s6 =	sshll.u32 s1, $0x1;
	s7 =	smul.u32 $0x500, s1  }
0x7: {  	s3 =	simm.s32 $0x0;
	s30 =	smul.u32 $0xA00, s1;
	s6 =	sor.u32 s5, s6  }
0x8: {  	[smem:$0x7FF] =	sst s3;
	s8 =	sshll.u32 s5, $0x7;
	s5 =	ssub.s32 $0x2, s5  }
0x9: {  	s6 =	smul.u32 $0x500, s6;
	_ =	strace $0x80000047;
	s7 =	sor.u32 s8, s7  }
0xa: {  	s31 =	sshrl.u32 s5, $0x1;
	s8 =	sshrl.u32 s30, $0x2;
	s7 =	sshrl.u32 s7, $0x3  }
0xb: {  	s9 =	ssub.s32 s5, s31;
	s6 =	sadd.s32 s6, s4;
	s7 =	sadd.s32 s7, s4  }
0xc: {  	s4 =	sadd.s32 s8, s2;
	s8 =	smax.u32 s9, $0x1;
	s9 =	simm.s32 $0x5000  }
0xd: {  	v0 =	vimm.f32 $0.0e+00;
	s5 =	sadd.s32 $0x3000, s6;
	s6 =	sadd.s32 $0xD000, s6;
	s7 =	sadd.s32 $0x17000, s7  }
.LBB2_1:
0xe: {  	[tilespmem:$0x5000] =	vst v0  }
0xf: {  	[tilespmem:$0x5010] =	vst v0  }
0x10: {  	[tilespmem:$0x5020] =	vst v0  }
0x11: {  	[tilespmem:$0x5030] =	vst v0  }
0x12: {  	[tilespmem:$0x5040] =	vst v0  }
0x13: {  	[tilespmem:$0x5050] =	vst v0  }
0x14: {  	[tilespmem:$0x5060] =	vst v0  }
0x15: {  	[tilespmem:$0x5070] =	vst v0  }
0x16: {  	[tilespmem:$0x5080] =	vst v0  }
0x17: {  	[tilespmem:$0x5090] =	vst v0  }
0x18: {  	[tilespmem:$0x50A0] =	vst v0  }
0x19: {  	[tilespmem:$0x50B0] =	vst v0  }
0x1a: {  	[tilespmem:$0x50C0] =	vst v0  }
0x1b: {  	[tilespmem:$0x50D0] =	vst v0  }
0x1c: {  	[tilespmem:$0x50E0] =	vst v0  }
0x1d: {  	[tilespmem:$0x50F0] =	vst v0  }
0x1e: {  	[tilespmem:$0x5100] =	vst v0  }
0x1f: {  	[tilespmem:$0x5110] =	vst v0  }
0x20: {  	[tilespmem:$0x5120] =	vst v0  }
0x21: {  	[tilespmem:$0x5130] =	vst v0  }
0x22: {  	[tilespmem:$0x5140] =	vst v0  }
0x23: {  	[tilespmem:$0x5150] =	vst v0  }
0x24: {  	[tilespmem:$0x5160] =	vst v0  }
0x25: {  	[tilespmem:$0x5170] =	vst v0  }
0x26: {  	[tilespmem:$0x5180] =	vst v0  }
0x27: {  	[tilespmem:$0x5190] =	vst v0  }
0x28: {  	[tilespmem:$0x51A0] =	vst v0  }
0x29: {  	[tilespmem:$0x51B0] =	vst v0  }
0x2a: {  	[tilespmem:$0x51C0] =	vst v0  }
0x2b: {  	[tilespmem:$0x51D0] =	vst v0  }
0x2c: {  	[tilespmem:$0x51E0] =	vst v0  }
0x2d: {  	[tilespmem:$0x51F0] =	vst v0  }
0x2e: {  	[tilespmem:$0x5200] =	vst v0  }
0x2f: {  	[tilespmem:$0x5210] =	vst v0  }
0x30: {  	[tilespmem:$0x5220] =	vst v0  }
0x31: {  	[tilespmem:$0x5230] =	vst v0  }
0x32: {  	[tilespmem:$0x5240] =	vst v0  }
0x33: {  	[tilespmem:$0x5250] =	vst v0  }
0x34: {  	[tilespmem:$0x5260] =	vst v0  }
0x35: {  	[tilespmem:$0x5270] =	vst v0  }
0x36: {  	[spmem:s4] =	stream.linear.scatter [tilespmem:s9], [sflag:$0x1], $0x280, $0x38;
	[tilespmem:$0x5500] =	vst v63  }
0x37: {  	_ =	swait.ge [sflag:s10], $0x280  }
0x38: {  	[sflag:s10] =	ssyncset.done $0x0  }
0x39: {  	[sflag:s10] =	ssyncadd.s32 $0xFFFFFD80  }
0x3a: {  	[tilespmem:s3], [sflag:$0x1] =	stream.linear.gather [hbm4b:s5+s3], $0x2780, $0x38;
	[tilespmem:$0x5500] =	vst v63  }
0x3b: {  	_ =	swait.ge [sflag:s10], $0x2780  }
0x3c: {  	[sflag:s10] =	ssyncset.done $0x0  }
0x3d: {  	[sflag:s10] =	ssyncadd.s32 $0xFFFFD880  }
0x3e: {  	[tilespmem:s11], [sflag:$0x1] =	stream.linear.gather [hbm4b:s6+s3], $0x2780, $0x38;
	[tilespmem:$0x5500] =	vst v63  }
0x3f: {  	_ =	swait.ge [sflag:s10], $0x2780  }
0x40: {  	[sflag:s10] =	ssyncset.done $0x0  }
0x41: {  	[sflag:s10] =	ssyncadd.s32 $0xFFFFD880  }
0x42: {  	s15 =	simm.s32 $0x0;
	s16 =	simm.s32 $0x2800;
	[bflag:$0x0] =	sbarrier.arrive $0xFFFF  }
0x43: {  	[spmem:s2] =	stream.indirect.scatter.add.f32 [tilespmem:s16], [sflag:$0x1], $0x1, s15, s12, $0xb8;
	[tilespmem:$0x5500] =	vst v63  }
0x44: {  	s15 =	simm.s32 $0x200;
	_ =	swait.ge [sflag:s10], $0x80  }
.LBB2_2:
0x45: {  	s16 =	sshra.s32 s15, $0x2;
	[sflag:s10] =	ssyncset.done $0x0;
	p0 =	sne.s32 s15, $0x9C00  }
.Ltmp0:
0x46: {  	s17 =	sadd.s32 $0x2800, s16;
	[sflag:s10] =	ssyncadd.s32 $0xFFFFFF80;
	(pc) =	sbr.rel @p0 .LBB2_2-.Ltmp0, $3  }
0x47: {  	[spmem:s2] =	stream.indirect.scatter.add.f32 [tilespmem:s17], [sflag:$0x1], $0x1, s16, s12, $0xb8;
	[tilespmem:$0x5500] =	vst v63  }
0x48: {  	s15 =	sadd.s32 $0x200, s15;
	_ =	sdelay $0x1  }
0x49: {  	_ =	swait.ge [sflag:s10], $0x80  }
0x4a: {  	[sflag:s10] =	ssyncset.done $0x0  }
0x4b: {  	[sflag:s10] =	ssyncadd.s32 $0xFFFFFF80  }
0x4c: {  	[bflag:$0x0] =	sbarrier.arrive $0xFFFF  }
0x4d: {  	[tilespmem:s9], [sflag:$0x1] =	stream.linear.gather [spmem:s4], $0x280, $0x38;
	[tilespmem:$0x5500] =	vst v63  }
0x4e: {  	s14 =	sadd.s32 $0x1, s14;
	_ =	swait.ge [sflag:s10], $0x280  }
0x4f: {  	p0 =	sne.s32 s14, s8;
	[sflag:s10] =	ssyncset.done $0x0  }
.Ltmp1:
0x50: {  	[sflag:s10] =	ssyncadd.s32 $0xFFFFFD80;
	(pc) =	sbr.rel @p0 .LBB2_1-.Ltmp1, $4  }
0x51: {  	[hbm4b:s7+s12] =	stream.strided.scatter [tilespmem:s9], [sflag:$0x1], $0x280, s13, s12, $0x38;
	[tilespmem:$0x5500] =	vst v63  }
0x52: {  	_ =	swait.ge [sflag:s10], $0x280  }
0x53: {  	[sflag:s10] =	ssyncset.done $0x0  }
0x54: {  	[sflag:s10] =	ssyncadd.s32 $0xFFFFFD80  }
0x55: {  	_ =	sfence.sel $0x180000  }
0x56: {  	[bflag:$0x0] =	sbarrier.arrive $0xFFFF  }
0x57: {  	p0 =	sne.s32 s1, $0x0;
	_ =	strace $0x90000047  }
0x58: {  	s0 =	sadd.s32 @!p0 $0x100000, s0;
	[bflag:$0x2] =	sbarrier.arrive $0xFFFF  }
0x59: {  	[sflag:s0] =	ssyncadd.tile.s32 @!p0 $0x1;
	_ =	shalt  }
.Lfunc_end2:
_tile_overlayer_lowered:
.L_overlay_start_2:
0x5a: {  	(tag) =	ssettag $0x2  }
0x5b: {  	s0 =	rddreg [dreg:$0x0];
	s2 =	stileid.u32  }
0x5c: {  	s1 =	rddreg [dreg:$0x1];
	p0 =	sne.s32 s2, $0x0  }
0x5d: {  	s3 =	rddreg [dreg:$0x2];
	[bflag:$0x3] =	sbarrier.arrive $0xFFFF;
	s2 =	simm.s32 @!p0 $0x1C01  }
0x5e: {  	[timem:s3], [sflag:s2] =	dma.local @!p0 [hbm:s0], s1  }
0x5f: {  	s0 =	simm.s32 @!p0 $0x1  }
0x60: {  	_ =	swait.ge @!p0 [sflag:s0], s1  }
0x61: {  	s1 =	ssub.s32 @!p0 $0x0, s1;
	[sflag:s0] =	ssyncset.done @!p0 $0x0  }
0x62: {  	[sflag:s0] =	ssyncadd.s32 @!p0 s1  }
0x63: {  	[bflag:$0x3] =	sbarrier.arrive $0xFFFF  }
0x64: {  	_ =	shalt  }

</sc_bundles>
